<compile_context>
chip_gen: v7x
topology: tpu7x:2x2x1
jax: 0.10.2.dev20260603
libtpu: 0.0.44.dev20260713+nightly
codegen_flags: <defaults>
</compile_context>

<pallas_src>
import functools

import jax
import jax.numpy as jnp
from jax import lax
from jax.experimental import pallas as pl
from jax.experimental.pallas import tpu as pltpu
from jax.experimental.pallas import tpu_sc as plsc


def _make_gather(S0: int, S1: int, V: int, D: int, spc: int):
    info = plsc.get_sparse_core_info()
    NC, NS = info.num_cores, info.num_subcores
    NW = NC * NS
    B = S0 * S1
    chunk = spc * S1
    b_per_w = B // NW
    n_chunks = b_per_w // chunk
    assert B % (NW * chunk) == 0 and n_chunks % 2 == 0
    assert S1 % 8 == 0 and b_per_w % 8 == 0
    pieces = []
    off = 0
    while off < S1:
        w = min(128, S1 - off)
        pieces.append((off, w))
        off += w

    mesh = plsc.VectorSubcoreMesh(core_axis_name="c", subcore_axis_name="s")

    @functools.partial(
        pl.kernel,
        mesh=mesh,
        compiler_params=pltpu.CompilerParams(use_tc_tiling_on_sc=False),
        out_type=jax.ShapeDtypeStruct((S0, S1, D), jnp.float32),
        scratch_types=[
            pltpu.VMEM((b_per_w,), jnp.int32),
            pltpu.VMEM((spc, S1, D), jnp.float32),
            pltpu.VMEM((spc, S1, D), jnp.float32),
            pltpu.SemaphoreType.DMA,
            pltpu.SemaphoreType.DMA,
            pltpu.SemaphoreType.DMA,
            pltpu.SemaphoreType.DMA,
        ],
    )
    def gather(table_hbm, idx_hbm, out_hbm, idx_v, rows0, rows1,
               gsem0, gsem1, ssem0, ssem1):
        rows = (rows0, rows1)
        gsem = (gsem0, gsem1)
        ssem = (ssem0, ssem1)

        wid = lax.axis_index("s") * NC + lax.axis_index("c")
        base = wid * b_per_w
        pltpu.sync_copy(idx_hbm.at[pl.ds(pl.multiple_of(base, 8), b_per_w)],
                        idx_v)

        def fire_gathers(c, b):
            for q in range(spc):
                for (po, pw) in pieces:
                    o = pl.multiple_of(c * chunk + q * S1 + po, 8)
                    pltpu.async_copy(
                        table_hbm.at[idx_v.at[pl.ds(o, pw)]],
                        rows[b].at[q, pl.ds(po, pw)],
                        gsem[b],
                    )

        def wait_gathers(b):
            pltpu.make_async_copy(
                table_hbm.at[idx_v.at[pl.ds(0, 8)]], rows[b], gsem[b]
            ).wait()

        def fire_store(c, b):
            s0_off = pl.multiple_of((base + c * chunk) // S1, spc)
            pltpu.async_copy(rows[b], out_hbm.at[pl.ds(s0_off, spc)], ssem[b])

        def wait_store(b):
            pltpu.make_async_copy(
                rows[b], out_hbm.at[pl.ds(0, spc)], ssem[b]
            ).wait()

        fire_gathers(0, 0)

        def body(i, carry):
            g = i * 2
            for b in range(2):
                cur = g + b
                nxt = cur + 1

                @pl.when(nxt < n_chunks)
                def _():
                    @pl.when(nxt >= 2)
                    def _():
                        wait_store(b ^ 1)

                    fire_gathers(nxt, b ^ 1)

                wait_gathers(b)
                fire_store(cur, b)
            return carry

        lax.fori_loop(0, n_chunks // 2, body, 0)
        wait_store(0)
        wait_store(1)

    return gather


def kernel(inputs, table):
    S0, S1 = inputs.shape
    V, D = table.shape
    idx = inputs.reshape(S0 * S1).astype(jnp.int32)
    return _make_gather(S0, S1, V, D, spc=4)(table, idx)

# --- scband reference (transcript-rebuilt; emitter-appended) ---
"""Pipeline reference for scband-shared-embedding-34333968564680 (READ-ONLY COPY).

The authoritative reference and input builder live on the scoring server;
editing this copy changes nothing except your own understanding.
"""

import jax, jax.numpy as jnp
import numpy as np

VOCAB = 1000000
EMBED = 64

def setup_inputs(seed: int = 0) -> dict:
    key = jax.random.key(seed)
    k_idx, k_tab = jax.random.split(key)
    inputs = jax.random.randint(k_idx, (4096, 200), 0, VOCAB, dtype=jnp.int64 if jax.config.jax_enable_x64 else jnp.int32)
    # Keras Embedding default init: uniform(-0.05, 0.05)
    table = jax.random.uniform(k_tab, (VOCAB, EMBED), dtype=jnp.float32, minval=-0.05, maxval=0.05)
    return {"inputs": inputs, "table": table}

def reference(inputs, table):
    # SharedEmbedding.call: embedding lookup
    return jnp.take(table, inputs, axis=0)

if __name__ == "__main__":
    import jax
    _d = setup_inputs()
    print(jax.jit(kernel)(*tuple(_d.values())))

</pallas_src>

<mosaic_0001>
#map = affine_map<(d0, d1) -> (0, 0)>
#map1 = affine_map<(d0, d1) -> (0)>
#map2 = affine_map<(d0, d1) -> (0, 0, 0)>
module attributes {stable_mosaic.version = 14 : i64} {
  func.func @gather(%arg0: i32, %arg1: i32, %arg2: memref<1000000x64xf32, #tpu.memory_space<hbm>>, %arg3: memref<819200xi32, #tpu.memory_space<hbm>>, %arg4: memref<4096x200x64xf32, #tpu.memory_space<hbm>>, %arg5: memref<25600xi32, #tpu.memory_space<vmem>>, %arg6: memref<4x200x64xf32, #tpu.memory_space<vmem>>, %arg7: memref<4x200x64xf32, #tpu.memory_space<vmem>>, %arg8: memref<!tpu.dma_semaphore, #tpu.memory_space<semaphore_mem>>, %arg9: memref<!tpu.dma_semaphore, #tpu.memory_space<semaphore_mem>>, %arg10: memref<!tpu.dma_semaphore, #tpu.memory_space<semaphore_mem>>, %arg11: memref<!tpu.dma_semaphore, #tpu.memory_space<semaphore_mem>>) attributes {dimension_semantics = [#tpu.dimension_semantics<core_parallel>, #tpu.dimension_semantics<subcore_parallel>], iteration_bounds = array<i64: 2, 16>, scalar_prefetch = 0 : i64, scratch_operands = 7 : i64, tpu.core_type = #tpu.core_type<sc_vector_subcore>, window_params = [{transform_indices = #map}, {transform_indices = #map1}, {transform_indices = #map2}]} {
    %mul3A = arith.constant 2 : i32
    %mul3A_0 = arith.muli %arg1, %mul3A : i32
    %add3A = arith.addi %mul3A_0, %arg0 : i32
    %mul3A_1 = arith.constant 25600 : i32
    %mul3A_2 = arith.muli %add3A, %mul3A_1 : i32
    %multiple_of3A = tpu.assume_multiple %mul3A_2, 8 : i32
    "tpu.region"() ({
      %run_scoped3A = tpu.sem_alloc : memref<!tpu.dma_semaphore, #tpu.memory_space<semaphore_mem>>
      %dma_start3A_110 = tpu.memref_slice %arg3[%multiple_of3A] : memref<819200xi32, #tpu.memory_space<hbm>> -> memref<25600xi32, #tpu.memory_space<hbm>>
      %dma_start3A_111 = tpu.memref_slice %arg3[%multiple_of3A] : memref<819200xi32, #tpu.memory_space<hbm>> -> memref<25600xi32, #tpu.memory_space<hbm>>
      tpu.enqueue_dma source(%dma_start3A_111 : memref<25600xi32, #tpu.memory_space<hbm>>) target(%arg5 : memref<25600xi32, #tpu.memory_space<vmem>>) target_semaphore(%run_scoped3A : memref<!tpu.dma_semaphore, #tpu.memory_space<semaphore_mem>>)
      %dma_wait3A_112 = tpu.memref_slice %arg3[%multiple_of3A] : memref<819200xi32, #tpu.memory_space<hbm>> -> memref<25600xi32, #tpu.memory_space<hbm>>
      %dma_wait3A_113 = tpu.memref_slice %arg3[%multiple_of3A] : memref<819200xi32, #tpu.memory_space<hbm>> -> memref<25600xi32, #tpu.memory_space<hbm>>
      tpu.wait_dma2 semaphore(%run_scoped3A : memref<!tpu.dma_semaphore, #tpu.memory_space<semaphore_mem>>) src(%dma_wait3A_113 : memref<25600xi32, #tpu.memory_space<hbm>>) dst(%arg5 : memref<25600xi32, #tpu.memory_space<vmem>>)
      tpu.yield
    }) : () -> ()
    %multiple_of3A_3 = arith.constant 0 : i32
    %multiple_of3A_4 = tpu.assume_multiple %multiple_of3A_3, 8 : i32
    %dma_start3A = arith.constant 0 : i32
    %dma_start3A_5 = arith.constant 0 : i32
    %dma_start3A_6 = arith.constant 0 : i32
    %dma_start3A_7 = tpu.memref_slice %arg6[%dma_start3A, %dma_start3A_5, %dma_start3A_6] : memref<4x200x64xf32, #tpu.memory_space<vmem>> -> memref<1x128x64xf32, #tpu.memory_space<vmem>>
    %dma_start3A_8 = tpu.memref_squeeze %dma_start3A_7 : memref<1x128x64xf32, #tpu.memory_space<vmem>> -> memref<128x64xf32, #tpu.memory_space<vmem>>
    %dma_start3A_9 = tpu.memref_slice %arg5[%multiple_of3A_4] : memref<25600xi32, #tpu.memory_space<vmem>> -> memref<128xi32, #tpu.memory_space<vmem>>
    %dma_start3A_10 = arith.constant 0 : i32
    %dma_start3A_11 = arith.constant 0 : i32
    %dma_start3A_12 = tpu.memref_slice %arg2[%dma_start3A_10, %dma_start3A_11] : memref<1000000x64xf32, #tpu.memory_space<hbm>> -> memref<1000000x64xf32, #tpu.memory_space<hbm>>
    tpu.enqueue_indirect_dma source(%dma_start3A_12 : memref<1000000x64xf32, #tpu.memory_space<hbm>>) target(%dma_start3A_8 : memref<128x64xf32, #tpu.memory_space<vmem>>) offsets(%dma_start3A_9 : memref<128xi32, #tpu.memory_space<vmem>>) semaphore(%arg8 : memref<!tpu.dma_semaphore, #tpu.memory_space<semaphore_mem>>)
    %multiple_of3A_13 = arith.constant 128 : i32
    %multiple_of3A_14 = tpu.assume_multiple %multiple_of3A_13, 8 : i32
    %dma_start3A_15 = arith.constant 0 : i32
    %dma_start3A_16 = arith.constant 128 : i32
    %dma_start3A_17 = arith.constant 0 : i32
    %dma_start3A_18 = tpu.memref_slice %arg6[%dma_start3A_15, %dma_start3A_16, %dma_start3A_17] : memref<4x200x64xf32, #tpu.memory_space<vmem>> -> memref<1x72x64xf32, #tpu.memory_space<vmem>>
    %dma_start3A_19 = tpu.memref_squeeze %dma_start3A_18 : memref<1x72x64xf32, #tpu.memory_space<vmem>> -> memref<72x64xf32, #tpu.memory_space<vmem>>
    %dma_start3A_20 = tpu.memref_slice %arg5[%multiple_of3A_14] : memref<25600xi32, #tpu.memory_space<vmem>> -> memref<72xi32, #tpu.memory_space<vmem>>
    %dma_start3A_21 = arith.constant 0 : i32
    %dma_start3A_22 = arith.constant 0 : i32
    %dma_start3A_23 = tpu.memref_slice %arg2[%dma_start3A_21, %dma_start3A_22] : memref<1000000x64xf32, #tpu.memory_space<hbm>> -> memref<1000000x64xf32, #tpu.memory_space<hbm>>
    tpu.enqueue_indirect_dma source(%dma_start3A_23 : memref<1000000x64xf32, #tpu.memory_space<hbm>>) target(%dma_start3A_19 : memref<72x64xf32, #tpu.memory_space<vmem>>) offsets(%dma_start3A_20 : memref<72xi32, #tpu.memory_space<vmem>>) semaphore(%arg8 : memref<!tpu.dma_semaphore, #tpu.memory_space<semaphore_mem>>)
    %multiple_of3A_24 = arith.constant 200 : i32
    %multiple_of3A_25 = tpu.assume_multiple %multiple_of3A_24, 8 : i32
    %dma_start3A_26 = arith.constant 1 : i32
    %dma_start3A_27 = arith.constant 0 : i32
    %dma_start3A_28 = arith.constant 0 : i32
    %dma_start3A_29 = tpu.memref_slice %arg6[%dma_start3A_26, %dma_start3A_27, %dma_start3A_28] : memref<4x200x64xf32, #tpu.memory_space<vmem>> -> memref<1x128x64xf32, #tpu.memory_space<vmem>>
    %dma_start3A_30 = tpu.memref_squeeze %dma_start3A_29 : memref<1x128x64xf32, #tpu.memory_space<vmem>> -> memref<128x64xf32, #tpu.memory_space<vmem>>
    %dma_start3A_31 = tpu.memref_slice %arg5[%multiple_of3A_25] : memref<25600xi32, #tpu.memory_space<vmem>> -> memref<128xi32, #tpu.memory_space<vmem>>
    %dma_start3A_32 = arith.constant 0 : i32
    %dma_start3A_33 = arith.constant 0 : i32
    %dma_start3A_34 = tpu.memref_slice %arg2[%dma_start3A_32, %dma_start3A_33] : memref<1000000x64xf32, #tpu.memory_space<hbm>> -> memref<1000000x64xf32, #tpu.memory_space<hbm>>
    tpu.enqueue_indirect_dma source(%dma_start3A_34 : memref<1000000x64xf32, #tpu.memory_space<hbm>>) target(%dma_start3A_30 : memref<128x64xf32, #tpu.memory_space<vmem>>) offsets(%dma_start3A_31 : memref<128xi32, #tpu.memory_space<vmem>>) semaphore(%arg8 : memref<!tpu.dma_semaphore, #tpu.memory_space<semaphore_mem>>)
    %multiple_of3A_35 = arith.constant 328 : i32
    %multiple_of3A_36 = tpu.assume_multiple %multiple_of3A_35, 8 : i32
    %dma_start3A_37 = arith.constant 1 : i32
    %dma_start3A_38 = arith.constant 128 : i32
    %dma_start3A_39 = arith.constant 0 : i32
    %dma_start3A_40 = tpu.memref_slice %arg6[%dma_start3A_37, %dma_start3A_38, %dma_start3A_39] : memref<4x200x64xf32, #tpu.memory_space<vmem>> -> memref<1x72x64xf32, #tpu.memory_space<vmem>>
    %dma_start3A_41 = tpu.memref_squeeze %dma_start3A_40 : memref<1x72x64xf32, #tpu.memory_space<vmem>> -> memref<72x64xf32, #tpu.memory_space<vmem>>
    %dma_start3A_42 = tpu.memref_slice %arg5[%multiple_of3A_36] : memref<25600xi32, #tpu.memory_space<vmem>> -> memref<72xi32, #tpu.memory_space<vmem>>
    %dma_start3A_43 = arith.constant 0 : i32
    %dma_start3A_44 = arith.constant 0 : i32
    %dma_start3A_45 = tpu.memref_slice %arg2[%dma_start3A_43, %dma_start3A_44] : memref<1000000x64xf32, #tpu.memory_space<hbm>> -> memref<1000000x64xf32, #tpu.memory_space<hbm>>
    tpu.enqueue_indirect_dma source(%dma_start3A_45 : memref<1000000x64xf32, #tpu.memory_space<hbm>>) target(%dma_start3A_41 : memref<72x64xf32, #tpu.memory_space<vmem>>) offsets(%dma_start3A_42 : memref<72xi32, #tpu.memory_space<vmem>>) semaphore(%arg8 : memref<!tpu.dma_semaphore, #tpu.memory_space<semaphore_mem>>)
    %multiple_of3A_46 = arith.constant 400 : i32
    %multiple_of3A_47 = tpu.assume_multiple %multiple_of3A_46, 8 : i32
    %dma_start3A_48 = arith.constant 2 : i32
    %dma_start3A_49 = arith.constant 0 : i32
    %dma_start3A_50 = arith.constant 0 : i32
    %dma_start3A_51 = tpu.memref_slice %arg6[%dma_start3A_48, %dma_start3A_49, %dma_start3A_50] : memref<4x200x64xf32, #tpu.memory_space<vmem>> -> memref<1x128x64xf32, #tpu.memory_space<vmem>>
    %dma_start3A_52 = tpu.memref_squeeze %dma_start3A_51 : memref<1x128x64xf32, #tpu.memory_space<vmem>> -> memref<128x64xf32, #tpu.memory_space<vmem>>
    %dma_start3A_53 = tpu.memref_slice %arg5[%multiple_of3A_47] : memref<25600xi32, #tpu.memory_space<vmem>> -> memref<128xi32, #tpu.memory_space<vmem>>
    %dma_start3A_54 = arith.constant 0 : i32
    %dma_start3A_55 = arith.constant 0 : i32
    %dma_start3A_56 = tpu.memref_slice %arg2[%dma_start3A_54, %dma_start3A_55] : memref<1000000x64xf32, #tpu.memory_space<hbm>> -> memref<1000000x64xf32, #tpu.memory_space<hbm>>
    tpu.enqueue_indirect_dma source(%dma_start3A_56 : memref<1000000x64xf32, #tpu.memory_space<hbm>>) target(%dma_start3A_52 : memref<128x64xf32, #tpu.memory_space<vmem>>) offsets(%dma_start3A_53 : memref<128xi32, #tpu.memory_space<vmem>>) semaphore(%arg8 : memref<!tpu.dma_semaphore, #tpu.memory_space<semaphore_mem>>)
    %multiple_of3A_57 = arith.constant 528 : i32
    %multiple_of3A_58 = tpu.assume_multiple %multiple_of3A_57, 8 : i32
    %dma_start3A_59 = arith.constant 2 : i32
    %dma_start3A_60 = arith.constant 128 : i32
    %dma_start3A_61 = arith.constant 0 : i32
    %dma_start3A_62 = tpu.memref_slice %arg6[%dma_start3A_59, %dma_start3A_60, %dma_start3A_61] : memref<4x200x64xf32, #tpu.memory_space<vmem>> -> memref<1x72x64xf32, #tpu.memory_space<vmem>>
    %dma_start3A_63 = tpu.memref_squeeze %dma_start3A_62 : memref<1x72x64xf32, #tpu.memory_space<vmem>> -> memref<72x64xf32, #tpu.memory_space<vmem>>
    %dma_start3A_64 = tpu.memref_slice %arg5[%multiple_of3A_58] : memref<25600xi32, #tpu.memory_space<vmem>> -> memref<72xi32, #tpu.memory_space<vmem>>
    %dma_start3A_65 = arith.constant 0 : i32
    %dma_start3A_66 = arith.constant 0 : i32
    %dma_start3A_67 = tpu.memref_slice %arg2[%dma_start3A_65, %dma_start3A_66] : memref<1000000x64xf32, #tpu.memory_space<hbm>> -> memref<1000000x64xf32, #tpu.memory_space<hbm>>
    tpu.enqueue_indirect_dma source(%dma_start3A_67 : memref<1000000x64xf32, #tpu.memory_space<hbm>>) target(%dma_start3A_63 : memref<72x64xf32, #tpu.memory_space<vmem>>) offsets(%dma_start3A_64 : memref<72xi32, #tpu.memory_space<vmem>>) semaphore(%arg8 : memref<!tpu.dma_semaphore, #tpu.memory_space<semaphore_mem>>)
    %multiple_of3A_68 = arith.constant 600 : i32
    %multiple_of3A_69 = tpu.assume_multiple %multiple_of3A_68, 8 : i32
    %dma_start3A_70 = arith.constant 3 : i32
    %dma_start3A_71 = arith.constant 0 : i32
    %dma_start3A_72 = arith.constant 0 : i32
    %dma_start3A_73 = tpu.memref_slice %arg6[%dma_start3A_70, %dma_start3A_71, %dma_start3A_72] : memref<4x200x64xf32, #tpu.memory_space<vmem>> -> memref<1x128x64xf32, #tpu.memory_space<vmem>>
    %dma_start3A_74 = tpu.memref_squeeze %dma_start3A_73 : memref<1x128x64xf32, #tpu.memory_space<vmem>> -> memref<128x64xf32, #tpu.memory_space<vmem>>
    %dma_start3A_75 = tpu.memref_slice %arg5[%multiple_of3A_69] : memref<25600xi32, #tpu.memory_space<vmem>> -> memref<128xi32, #tpu.memory_space<vmem>>
    %dma_start3A_76 = arith.constant 0 : i32
    %dma_start3A_77 = arith.constant 0 : i32
    %dma_start3A_78 = tpu.memref_slice %arg2[%dma_start3A_76, %dma_start3A_77] : memref<1000000x64xf32, #tpu.memory_space<hbm>> -> memref<1000000x64xf32, #tpu.memory_space<hbm>>
    tpu.enqueue_indirect_dma source(%dma_start3A_78 : memref<1000000x64xf32, #tpu.memory_space<hbm>>) target(%dma_start3A_74 : memref<128x64xf32, #tpu.memory_space<vmem>>) offsets(%dma_start3A_75 : memref<128xi32, #tpu.memory_space<vmem>>) semaphore(%arg8 : memref<!tpu.dma_semaphore, #tpu.memory_space<semaphore_mem>>)
    %multiple_of3A_79 = arith.constant 728 : i32
    %multiple_of3A_80 = tpu.assume_multiple %multiple_of3A_79, 8 : i32
    %dma_start3A_81 = arith.constant 3 : i32
    %dma_start3A_82 = arith.constant 128 : i32
    %dma_start3A_83 = arith.constant 0 : i32
    %dma_start3A_84 = tpu.memref_slice %arg6[%dma_start3A_81, %dma_start3A_82, %dma_start3A_83] : memref<4x200x64xf32, #tpu.memory_space<vmem>> -> memref<1x72x64xf32, #tpu.memory_space<vmem>>
    %dma_start3A_85 = tpu.memref_squeeze %dma_start3A_84 : memref<1x72x64xf32, #tpu.memory_space<vmem>> -> memref<72x64xf32, #tpu.memory_space<vmem>>
    %dma_start3A_86 = tpu.memref_slice %arg5[%multiple_of3A_80] : memref<25600xi32, #tpu.memory_space<vmem>> -> memref<72xi32, #tpu.memory_space<vmem>>
    %dma_start3A_87 = arith.constant 0 : i32
    %dma_start3A_88 = arith.constant 0 : i32
    %dma_start3A_89 = tpu.memref_slice %arg2[%dma_start3A_87, %dma_start3A_88] : memref<1000000x64xf32, #tpu.memory_space<hbm>> -> memref<1000000x64xf32, #tpu.memory_space<hbm>>
    tpu.enqueue_indirect_dma source(%dma_start3A_89 : memref<1000000x64xf32, #tpu.memory_space<hbm>>) target(%dma_start3A_85 : memref<72x64xf32, #tpu.memory_space<vmem>>) offsets(%dma_start3A_86 : memref<72xi32, #tpu.memory_space<vmem>>) semaphore(%arg8 : memref<!tpu.dma_semaphore, #tpu.memory_space<semaphore_mem>>)
    %scan3A = arith.constant 0 : i32
    %scan3A_90 = arith.constant 0 : i32
    %scan3A_91 = arith.constant 16 : i32
    %scan3A_92 = arith.addi %scan3A_90, %scan3A_91 : i32
    %scan3A_93 = arith.constant 1 : i32
    scf.for %scan3A_110 = %scan3A_90 to %scan3A_92 step %scan3A_93  : i32 {
      %mul3A_111 = arith.constant 2 : i32
      %mul3A_112 = arith.muli %scan3A_110, %mul3A_111 : i32
      %add3A_113 = arith.constant 0 : i32
      %add3A_114 = arith.addi %mul3A_112, %add3A_113 : i32
      %add3A_115 = arith.constant 1 : i32
      %add3A_116 = arith.addi %add3A_114, %add3A_115 : i32
      %lt3A = arith.constant 32 : i32
      %lt3A_117 = arith.cmpi slt, %add3A_116, %lt3A : i32
      %convert_element_type3A = arith.extui %lt3A_117 : i1 to i32
      %cond3A = arith.constant 0 : i32
      %cond3A_118 = arith.cmpi ne, %convert_element_type3A, %cond3A : i32
      scf.if %cond3A_118 {
        %ge3A = arith.constant 2 : i32
        %ge3A_198 = arith.cmpi sge, %add3A_116, %ge3A : i32
        %convert_element_type3A_199 = arith.extui %ge3A_198 : i1 to i32
        %cond3A_200 = arith.constant 0 : i32
        %cond3A_201 = arith.cmpi ne, %convert_element_type3A_199, %cond3A_200 : i32
        scf.if %cond3A_201 {
          %dma_wait3A_330 = arith.constant 0 : i32
          %dma_wait3A_331 = arith.constant 0 : i32
          %dma_wait3A_332 = arith.constant 0 : i32
          %dma_wait3A_333 = tpu.memref_slice %arg4[%dma_wait3A_330, %dma_wait3A_331, %dma_wait3A_332] : memref<4096x200x64xf32, #tpu.memory_space<hbm>> -> memref<4x200x64xf32, #tpu.memory_space<hbm>>
          %dma_wait3A_334 = arith.constant 0 : i32
          %dma_wait3A_335 = arith.constant 0 : i32
          %dma_wait3A_336 = arith.constant 0 : i32
          %dma_wait3A_337 = tpu.memref_slice %arg4[%dma_wait3A_334, %dma_wait3A_335, %dma_wait3A_336] : memref<4096x200x64xf32, #tpu.memory_space<hbm>> -> memref<4x200x64xf32, #tpu.memory_space<hbm>>
          tpu.wait_dma2 semaphore(%arg11 : memref<!tpu.dma_semaphore, #tpu.memory_space<semaphore_mem>>) src(%arg7 : memref<4x200x64xf32, #tpu.memory_space<vmem>>) dst(%dma_wait3A_337 : memref<4x200x64xf32, #tpu.memory_space<hbm>>)
        } else {
        }
        %mul3A_202 = arith.constant 800 : i32
        %mul3A_203 = arith.muli %add3A_116, %mul3A_202 : i32
        %add3A_204 = arith.constant 0 : i32
        %add3A_205 = arith.addi %mul3A_203, %add3A_204 : i32
        %add3A_206 = arith.constant 0 : i32
        %add3A_207 = arith.addi %add3A_205, %add3A_206 : i32
        %multiple_of3A_208 = tpu.assume_multiple %add3A_207, 8 : i32
        %dma_start3A_209 = arith.constant 0 : i32
        %dma_start3A_210 = arith.constant 0 : i32
        %dma_start3A_211 = arith.constant 0 : i32
        %dma_start3A_212 = tpu.memref_slice %arg7[%dma_start3A_209, %dma_start3A_210, %dma_start3A_211] : memref<4x200x64xf32, #tpu.memory_space<vmem>> -> memref<1x128x64xf32, #tpu.memory_space<vmem>>
        %dma_start3A_213 = tpu.memref_squeeze %dma_start3A_212 : memref<1x128x64xf32, #tpu.memory_space<vmem>> -> memref<128x64xf32, #tpu.memory_space<vmem>>
        %dma_start3A_214 = tpu.memref_slice %arg5[%multiple_of3A_208] : memref<25600xi32, #tpu.memory_space<vmem>> -> memref<128xi32, #tpu.memory_space<vmem>>
        %dma_start3A_215 = arith.constant 0 : i32
        %dma_start3A_216 = arith.constant 0 : i32
        %dma_start3A_217 = tpu.memref_slice %arg2[%dma_start3A_215, %dma_start3A_216] : memref<1000000x64xf32, #tpu.memory_space<hbm>> -> memref<1000000x64xf32, #tpu.memory_space<hbm>>
        tpu.enqueue_indirect_dma source(%dma_start3A_217 : memref<1000000x64xf32, #tpu.memory_space<hbm>>) target(%dma_start3A_213 : memref<128x64xf32, #tpu.memory_space<vmem>>) offsets(%dma_start3A_214 : memref<128xi32, #tpu.memory_space<vmem>>) semaphore(%arg9 : memref<!tpu.dma_semaphore, #tpu.memory_space<semaphore_mem>>)
        %mul3A_218 = arith.constant 800 : i32
        %mul3A_219 = arith.muli %add3A_116, %mul3A_218 : i32
        %add3A_220 = arith.constant 0 : i32
        %add3A_221 = arith.addi %mul3A_219, %add3A_220 : i32
        %add3A_222 = arith.constant 128 : i32
        %add3A_223 = arith.addi %add3A_221, %add3A_222 : i32
        %multiple_of3A_224 = tpu.assume_multiple %add3A_223, 8 : i32
        %dma_start3A_225 = arith.constant 0 : i32
        %dma_start3A_226 = arith.constant 128 : i32
        %dma_start3A_227 = arith.constant 0 : i32
        %dma_start3A_228 = tpu.memref_slice %arg7[%dma_start3A_225, %dma_start3A_226, %dma_start3A_227] : memref<4x200x64xf32, #tpu.memory_space<vmem>> -> memref<1x72x64xf32, #tpu.memory_space<vmem>>
        %dma_start3A_229 = tpu.memref_squeeze %dma_start3A_228 : memref<1x72x64xf32, #tpu.memory_space<vmem>> -> memref<72x64xf32, #tpu.memory_space<vmem>>
        %dma_start3A_230 = tpu.memref_slice %arg5[%multiple_of3A_224] : memref<25600xi32, #tpu.memory_space<vmem>> -> memref<72xi32, #tpu.memory_space<vmem>>
        %dma_start3A_231 = arith.constant 0 : i32
        %dma_start3A_232 = arith.constant 0 : i32
        %dma_start3A_233 = tpu.memref_slice %arg2[%dma_start3A_231, %dma_start3A_232] : memref<1000000x64xf32, #tpu.memory_space<hbm>> -> memref<1000000x64xf32, #tpu.memory_space<hbm>>
        tpu.enqueue_indirect_dma source(%dma_start3A_233 : memref<1000000x64xf32, #tpu.memory_space<hbm>>) target(%dma_start3A_229 : memref<72x64xf32, #tpu.memory_space<vmem>>) offsets(%dma_start3A_230 : memref<72xi32, #tpu.memory_space<vmem>>) semaphore(%arg9 : memref<!tpu.dma_semaphore, #tpu.memory_space<semaphore_mem>>)
        %mul3A_234 = arith.constant 800 : i32
        %mul3A_235 = arith.muli %add3A_116, %mul3A_234 : i32
        %add3A_236 = arith.constant 200 : i32
        %add3A_237 = arith.addi %mul3A_235, %add3A_236 : i32
        %add3A_238 = arith.constant 0 : i32
        %add3A_239 = arith.addi %add3A_237, %add3A_238 : i32
        %multiple_of3A_240 = tpu.assume_multiple %add3A_239, 8 : i32
        %dma_start3A_241 = arith.constant 1 : i32
        %dma_start3A_242 = arith.constant 0 : i32
        %dma_start3A_243 = arith.constant 0 : i32
        %dma_start3A_244 = tpu.memref_slice %arg7[%dma_start3A_241, %dma_start3A_242, %dma_start3A_243] : memref<4x200x64xf32, #tpu.memory_space<vmem>> -> memref<1x128x64xf32, #tpu.memory_space<vmem>>
        %dma_start3A_245 = tpu.memref_squeeze %dma_start3A_244 : memref<1x128x64xf32, #tpu.memory_space<vmem>> -> memref<128x64xf32, #tpu.memory_space<vmem>>
        %dma_start3A_246 = tpu.memref_slice %arg5[%multiple_of3A_240] : memref<25600xi32, #tpu.memory_space<vmem>> -> memref<128xi32, #tpu.memory_space<vmem>>
        %dma_start3A_247 = arith.constant 0 : i32
        %dma_start3A_248 = arith.constant 0 : i32
        %dma_start3A_249 = tpu.memref_slice %arg2[%dma_start3A_247, %dma_start3A_248] : memref<1000000x64xf32, #tpu.memory_space<hbm>> -> memref<1000000x64xf32, #tpu.memory_space<hbm>>
        tpu.enqueue_indirect_dma source(%dma_start3A_249 : memref<1000000x64xf32, #tpu.memory_space<hbm>>) target(%dma_start3A_245 : memref<128x64xf32, #tpu.memory_space<vmem>>) offsets(%dma_start3A_246 : memref<128xi32, #tpu.memory_space<vmem>>) semaphore(%arg9 : memref<!tpu.dma_semaphore, #tpu.memory_space<semaphore_mem>>)
        %mul3A_250 = arith.constant 800 : i32
        %mul3A_251 = arith.muli %add3A_116, %mul3A_250 : i32
        %add3A_252 = arith.constant 200 : i32
        %add3A_253 = arith.addi %mul3A_251, %add3A_252 : i32
        %add3A_254 = arith.constant 128 : i32
        %add3A_255 = arith.addi %add3A_253, %add3A_254 : i32
        %multiple_of3A_256 = tpu.assume_multiple %add3A_255, 8 : i32
        %dma_start3A_257 = arith.constant 1 : i32
        %dma_start3A_258 = arith.constant 128 : i32
        %dma_start3A_259 = arith.constant 0 : i32
        %dma_start3A_260 = tpu.memref_slice %arg7[%dma_start3A_257, %dma_start3A_258, %dma_start3A_259] : memref<4x200x64xf32, #tpu.memory_space<vmem>> -> memref<1x72x64xf32, #tpu.memory_space<vmem>>
        %dma_start3A_261 = tpu.memref_squeeze %dma_start3A_260 : memref<1x72x64xf32, #tpu.memory_space<vmem>> -> memref<72x64xf32, #tpu.memory_space<vmem>>
        %dma_start3A_262 = tpu.memref_slice %arg5[%multiple_of3A_256] : memref<25600xi32, #tpu.memory_space<vmem>> -> memref<72xi32, #tpu.memory_space<vmem>>
        %dma_start3A_263 = arith.constant 0 : i32
        %dma_start3A_264 = arith.constant 0 : i32
        %dma_start3A_265 = tpu.memref_slice %arg2[%dma_start3A_263, %dma_start3A_264] : memref<1000000x64xf32, #tpu.memory_space<hbm>> -> memref<1000000x64xf32, #tpu.memory_space<hbm>>
        tpu.enqueue_indirect_dma source(%dma_start3A_265 : memref<1000000x64xf32, #tpu.memory_space<hbm>>) target(%dma_start3A_261 : memref<72x64xf32, #tpu.memory_space<vmem>>) offsets(%dma_start3A_262 : memref<72xi32, #tpu.memory_space<vmem>>) semaphore(%arg9 : memref<!tpu.dma_semaphore, #tpu.memory_space<semaphore_mem>>)
        %mul3A_266 = arith.constant 800 : i32
        %mul3A_267 = arith.muli %add3A_116, %mul3A_266 : i32
        %add3A_268 = arith.constant 400 : i32
        %add3A_269 = arith.addi %mul3A_267, %add3A_268 : i32
        %add3A_270 = arith.constant 0 : i32
        %add3A_271 = arith.addi %add3A_269, %add3A_270 : i32
        %multiple_of3A_272 = tpu.assume_multiple %add3A_271, 8 : i32
        %dma_start3A_273 = arith.constant 2 : i32
        %dma_start3A_274 = arith.constant 0 : i32
        %dma_start3A_275 = arith.constant 0 : i32
        %dma_start3A_276 = tpu.memref_slice %arg7[%dma_start3A_273, %dma_start3A_274, %dma_start3A_275] : memref<4x200x64xf32, #tpu.memory_space<vmem>> -> memref<1x128x64xf32, #tpu.memory_space<vmem>>
        %dma_start3A_277 = tpu.memref_squeeze %dma_start3A_276 : memref<1x128x64xf32, #tpu.memory_space<vmem>> -> memref<128x64xf32, #tpu.memory_space<vmem>>
        %dma_start3A_278 = tpu.memref_slice %arg5[%multiple_of3A_272] : memref<25600xi32, #tpu.memory_space<vmem>> -> memref<128xi32, #tpu.memory_space<vmem>>
        %dma_start3A_279 = arith.constant 0 : i32
        %dma_start3A_280 = arith.constant 0 : i32
        %dma_start3A_281 = tpu.memref_slice %arg2[%dma_start3A_279, %dma_start3A_280] : memref<1000000x64xf32, #tpu.memory_space<hbm>> -> memref<1000000x64xf32, #tpu.memory_space<hbm>>
        tpu.enqueue_indirect_dma source(%dma_start3A_281 : memref<1000000x64xf32, #tpu.memory_space<hbm>>) target(%dma_start3A_277 : memref<128x64xf32, #tpu.memory_space<vmem>>) offsets(%dma_start3A_278 : memref<128xi32, #tpu.memory_space<vmem>>) semaphore(%arg9 : memref<!tpu.dma_semaphore, #tpu.memory_space<semaphore_mem>>)
        %mul3A_282 = arith.constant 800 : i32
        %mul3A_283 = arith.muli %add3A_116, %mul3A_282 : i32
        %add3A_284 = arith.constant 400 : i32
        %add3A_285 = arith.addi %mul3A_283, %add3A_284 : i32
        %add3A_286 = arith.constant 128 : i32
        %add3A_287 = arith.addi %add3A_285, %add3A_286 : i32
        %multiple_of3A_288 = tpu.assume_multiple %add3A_287, 8 : i32
        %dma_start3A_289 = arith.constant 2 : i32
        %dma_start3A_290 = arith.constant 128 : i32
        %dma_start3A_291 = arith.constant 0 : i32
        %dma_start3A_292 = tpu.memref_slice %arg7[%dma_start3A_289, %dma_start3A_290, %dma_start3A_291] : memref<4x200x64xf32, #tpu.memory_space<vmem>> -> memref<1x72x64xf32, #tpu.memory_space<vmem>>
        %dma_start3A_293 = tpu.memref_squeeze %dma_start3A_292 : memref<1x72x64xf32, #tpu.memory_space<vmem>> -> memref<72x64xf32, #tpu.memory_space<vmem>>
        %dma_start3A_294 = tpu.memref_slice %arg5[%multiple_of3A_288] : memref<25600xi32, #tpu.memory_space<vmem>> -> memref<72xi32, #tpu.memory_space<vmem>>
        %dma_start3A_295 = arith.constant 0 : i32
        %dma_start3A_296 = arith.constant 0 : i32
        %dma_start3A_297 = tpu.memref_slice %arg2[%dma_start3A_295, %dma_start3A_296] : memref<1000000x64xf32, #tpu.memory_space<hbm>> -> memref<1000000x64xf32, #tpu.memory_space<hbm>>
        tpu.enqueue_indirect_dma source(%dma_start3A_297 : memref<1000000x64xf32, #tpu.memory_space<hbm>>) target(%dma_start3A_293 : memref<72x64xf32, #tpu.memory_space<vmem>>) offsets(%dma_start3A_294 : memref<72xi32, #tpu.memory_space<vmem>>) semaphore(%arg9 : memref<!tpu.dma_semaphore, #tpu.memory_space<semaphore_mem>>)
        %mul3A_298 = arith.constant 800 : i32
        %mul3A_299 = arith.muli %add3A_116, %mul3A_298 : i32
        %add3A_300 = arith.constant 600 : i32
        %add3A_301 = arith.addi %mul3A_299, %add3A_300 : i32
        %add3A_302 = arith.constant 0 : i32
        %add3A_303 = arith.addi %add3A_301, %add3A_302 : i32
        %multiple_of3A_304 = tpu.assume_multiple %add3A_303, 8 : i32
        %dma_start3A_305 = arith.constant 3 : i32
        %dma_start3A_306 = arith.constant 0 : i32
        %dma_start3A_307 = arith.constant 0 : i32
        %dma_start3A_308 = tpu.memref_slice %arg7[%dma_start3A_305, %dma_start3A_306, %dma_start3A_307] : memref<4x200x64xf32, #tpu.memory_space<vmem>> -> memref<1x128x64xf32, #tpu.memory_space<vmem>>
        %dma_start3A_309 = tpu.memref_squeeze %dma_start3A_308 : memref<1x128x64xf32, #tpu.memory_space<vmem>> -> memref<128x64xf32, #tpu.memory_space<vmem>>
        %dma_start3A_310 = tpu.memref_slice %arg5[%multiple_of3A_304] : memref<25600xi32, #tpu.memory_space<vmem>> -> memref<128xi32, #tpu.memory_space<vmem>>
        %dma_start3A_311 = arith.constant 0 : i32
        %dma_start3A_312 = arith.constant 0 : i32
        %dma_start3A_313 = tpu.memref_slice %arg2[%dma_start3A_311, %dma_start3A_312] : memref<1000000x64xf32, #tpu.memory_space<hbm>> -> memref<1000000x64xf32, #tpu.memory_space<hbm>>
        tpu.enqueue_indirect_dma source(%dma_start3A_313 : memref<1000000x64xf32, #tpu.memory_space<hbm>>) target(%dma_start3A_309 : memref<128x64xf32, #tpu.memory_space<vmem>>) offsets(%dma_start3A_310 : memref<128xi32, #tpu.memory_space<vmem>>) semaphore(%arg9 : memref<!tpu.dma_semaphore, #tpu.memory_space<semaphore_mem>>)
        %mul3A_314 = arith.constant 800 : i32
        %mul3A_315 = arith.muli %add3A_116, %mul3A_314 : i32
        %add3A_316 = arith.constant 600 : i32
        %add3A_317 = arith.addi %mul3A_315, %add3A_316 : i32
        %add3A_318 = arith.constant 128 : i32
        %add3A_319 = arith.addi %add3A_317, %add3A_318 : i32
        %multiple_of3A_320 = tpu.assume_multiple %add3A_319, 8 : i32
        %dma_start3A_321 = arith.constant 3 : i32
        %dma_start3A_322 = arith.constant 128 : i32
        %dma_start3A_323 = arith.constant 0 : i32
        %dma_start3A_324 = tpu.memref_slice %arg7[%dma_start3A_321, %dma_start3A_322, %dma_start3A_323] : memref<4x200x64xf32, #tpu.memory_space<vmem>> -> memref<1x72x64xf32, #tpu.memory_space<vmem>>
        %dma_start3A_325 = tpu.memref_squeeze %dma_start3A_324 : memref<1x72x64xf32, #tpu.memory_space<vmem>> -> memref<72x64xf32, #tpu.memory_space<vmem>>
        %dma_start3A_326 = tpu.memref_slice %arg5[%multiple_of3A_320] : memref<25600xi32, #tpu.memory_space<vmem>> -> memref<72xi32, #tpu.memory_space<vmem>>
        %dma_start3A_327 = arith.constant 0 : i32
        %dma_start3A_328 = arith.constant 0 : i32
        %dma_start3A_329 = tpu.memref_slice %arg2[%dma_start3A_327, %dma_start3A_328] : memref<1000000x64xf32, #tpu.memory_space<hbm>> -> memref<1000000x64xf32, #tpu.memory_space<hbm>>
        tpu.enqueue_indirect_dma source(%dma_start3A_329 : memref<1000000x64xf32, #tpu.memory_space<hbm>>) target(%dma_start3A_325 : memref<72x64xf32, #tpu.memory_space<vmem>>) offsets(%dma_start3A_326 : memref<72xi32, #tpu.memory_space<vmem>>) semaphore(%arg9 : memref<!tpu.dma_semaphore, #tpu.memory_space<semaphore_mem>>)
      } else {
      }
      %dma_wait3A_119 = arith.constant 0 : i32
      %dma_wait3A_120 = tpu.memref_slice %arg5[%dma_wait3A_119] : memref<25600xi32, #tpu.memory_space<vmem>> -> memref<8xi32, #tpu.memory_space<vmem>>
      %dma_wait3A_121 = arith.constant 0 : i32
      %dma_wait3A_122 = arith.constant 0 : i32
      %dma_wait3A_123 = tpu.memref_slice %arg2[%dma_wait3A_121, %dma_wait3A_122] : memref<1000000x64xf32, #tpu.memory_space<hbm>> -> memref<1000000x64xf32, #tpu.memory_space<hbm>>
      tpu.wait_indirect_dma semaphore(%arg8 : memref<!tpu.dma_semaphore, #tpu.memory_space<semaphore_mem>>) src(%dma_wait3A_123 : memref<1000000x64xf32, #tpu.memory_space<hbm>>) dst(%arg6 : memref<4x200x64xf32, #tpu.memory_space<vmem>>)
      %mul3A_124 = arith.constant 800 : i32
      %mul3A_125 = arith.muli %add3A_114, %mul3A_124 : i32
      %add3A_126 = arith.addi %mul3A_2, %mul3A_125 : i32
      %jit3A = arith.constant 200 : i32
      %div3A = arith.divsi %add3A_126, %jit3A : i32
      %sign3A = arith.constant 0 : i32
      %sign3A_127 = arith.cmpi sgt, %add3A_126, %sign3A : i32
      %sign3A_128 = arith.extui %sign3A_127 : i1 to i32
      %sign3A_129 = arith.constant 0 : i32
      %sign3A_130 = arith.cmpi slt, %add3A_126, %sign3A_129 : i32
      %sign3A_131 = arith.extui %sign3A_130 : i1 to i32
      %sign3A_132 = arith.subi %sign3A_128, %sign3A_131 : i32
      %sign3A_133 = arith.constant 0 : i32
      %sign3A_134 = arith.cmpi sgt, %jit3A, %sign3A_133 : i32
      %sign3A_135 = arith.extui %sign3A_134 : i1 to i32
      %sign3A_136 = arith.constant 0 : i32
      %sign3A_137 = arith.cmpi slt, %jit3A, %sign3A_136 : i32
      %sign3A_138 = arith.extui %sign3A_137 : i1 to i32
      %sign3A_139 = arith.subi %sign3A_135, %sign3A_138 : i32
      %ne3A = arith.cmpi ne, %sign3A_132, %sign3A_139 : i32
      %rem3A = arith.remsi %add3A_126, %jit3A : i32
      %ne3A_140 = arith.constant 0 : i32
      %ne3A_141 = arith.cmpi ne, %rem3A, %ne3A_140 : i32
      %and3A = arith.andi %ne3A, %ne3A_141 : i1
      %sub3A = arith.constant 1 : i32
      %sub3A_142 = arith.subi %div3A, %sub3A : i32
      %select_n3A = arith.select %and3A, %sub3A_142, %div3A : i32
      %multiple_of3A_143 = tpu.assume_multiple %select_n3A, 4 : i32
      %dma_start3A_144 = arith.constant 0 : i32
      %dma_start3A_145 = arith.constant 0 : i32
      %dma_start3A_146 = tpu.memref_slice %arg4[%multiple_of3A_143, %dma_start3A_144, %dma_start3A_145] : memref<4096x200x64xf32, #tpu.memory_space<hbm>> -> memref<4x200x64xf32, #tpu.memory_space<hbm>>
      %dma_start3A_147 = arith.constant 0 : i32
      %dma_start3A_148 = arith.constant 0 : i32
      %dma_start3A_149 = tpu.memref_slice %arg4[%multiple_of3A_143, %dma_start3A_147, %dma_start3A_148] : memref<4096x200x64xf32, #tpu.memory_space<hbm>> -> memref<4x200x64xf32, #tpu.memory_space<hbm>>
      tpu.enqueue_dma source(%arg6 : memref<4x200x64xf32, #tpu.memory_space<vmem>>) target(%dma_start3A_149 : memref<4x200x64xf32, #tpu.memory_space<hbm>>) target_semaphore(%arg10 : memref<!tpu.dma_semaphore, #tpu.memory_space<semaphore_mem>>)
      %add3A_150 = arith.constant 1 : i32
      %add3A_151 = arith.addi %mul3A_112, %add3A_150 : i32
      %add3A_152 = arith.constant 1 : i32
      %add3A_153 = arith.addi %add3A_151, %add3A_152 : i32
      %lt3A_154 = arith.constant 32 : i32
      %lt3A_155 = arith.cmpi slt, %add3A_153, %lt3A_154 : i32
      %convert_element_type3A_156 = arith.extui %lt3A_155 : i1 to i32
      %cond3A_157 = arith.constant 0 : i32
      %cond3A_158 = arith.cmpi ne, %convert_element_type3A_156, %cond3A_157 : i32
      scf.if %cond3A_158 {
        %ge3A = arith.constant 2 : i32
        %ge3A_198 = arith.cmpi sge, %add3A_153, %ge3A : i32
        %convert_element_type3A_199 = arith.extui %ge3A_198 : i1 to i32
        %cond3A_200 = arith.constant 0 : i32
        %cond3A_201 = arith.cmpi ne, %convert_element_type3A_199, %cond3A_200 : i32
        scf.if %cond3A_201 {
          %dma_wait3A_330 = arith.constant 0 : i32
          %dma_wait3A_331 = arith.constant 0 : i32
          %dma_wait3A_332 = arith.constant 0 : i32
          %dma_wait3A_333 = tpu.memref_slice %arg4[%dma_wait3A_330, %dma_wait3A_331, %dma_wait3A_332] : memref<4096x200x64xf32, #tpu.memory_space<hbm>> -> memref<4x200x64xf32, #tpu.memory_space<hbm>>
          %dma_wait3A_334 = arith.constant 0 : i32
          %dma_wait3A_335 = arith.constant 0 : i32
          %dma_wait3A_336 = arith.constant 0 : i32
          %dma_wait3A_337 = tpu.memref_slice %arg4[%dma_wait3A_334, %dma_wait3A_335, %dma_wait3A_336] : memref<4096x200x64xf32, #tpu.memory_space<hbm>> -> memref<4x200x64xf32, #tpu.memory_space<hbm>>
          tpu.wait_dma2 semaphore(%arg10 : memref<!tpu.dma_semaphore, #tpu.memory_space<semaphore_mem>>) src(%arg6 : memref<4x200x64xf32, #tpu.memory_space<vmem>>) dst(%dma_wait3A_337 : memref<4x200x64xf32, #tpu.memory_space<hbm>>)
        } else {
        }
        %mul3A_202 = arith.constant 800 : i32
        %mul3A_203 = arith.muli %add3A_153, %mul3A_202 : i32
        %add3A_204 = arith.constant 0 : i32
        %add3A_205 = arith.addi %mul3A_203, %add3A_204 : i32
        %add3A_206 = arith.constant 0 : i32
        %add3A_207 = arith.addi %add3A_205, %add3A_206 : i32
        %multiple_of3A_208 = tpu.assume_multiple %add3A_207, 8 : i32
        %dma_start3A_209 = arith.constant 0 : i32
        %dma_start3A_210 = arith.constant 0 : i32
        %dma_start3A_211 = arith.constant 0 : i32
        %dma_start3A_212 = tpu.memref_slice %arg6[%dma_start3A_209, %dma_start3A_210, %dma_start3A_211] : memref<4x200x64xf32, #tpu.memory_space<vmem>> -> memref<1x128x64xf32, #tpu.memory_space<vmem>>
        %dma_start3A_213 = tpu.memref_squeeze %dma_start3A_212 : memref<1x128x64xf32, #tpu.memory_space<vmem>> -> memref<128x64xf32, #tpu.memory_space<vmem>>
        %dma_start3A_214 = tpu.memref_slice %arg5[%multiple_of3A_208] : memref<25600xi32, #tpu.memory_space<vmem>> -> memref<128xi32, #tpu.memory_space<vmem>>
        %dma_start3A_215 = arith.constant 0 : i32
        %dma_start3A_216 = arith.constant 0 : i32
        %dma_start3A_217 = tpu.memref_slice %arg2[%dma_start3A_215, %dma_start3A_216] : memref<1000000x64xf32, #tpu.memory_space<hbm>> -> memref<1000000x64xf32, #tpu.memory_space<hbm>>
        tpu.enqueue_indirect_dma source(%dma_start3A_217 : memref<1000000x64xf32, #tpu.memory_space<hbm>>) target(%dma_start3A_213 : memref<128x64xf32, #tpu.memory_space<vmem>>) offsets(%dma_start3A_214 : memref<128xi32, #tpu.memory_space<vmem>>) semaphore(%arg8 : memref<!tpu.dma_semaphore, #tpu.memory_space<semaphore_mem>>)
        %mul3A_218 = arith.constant 800 : i32
        %mul3A_219 = arith.muli %add3A_153, %mul3A_218 : i32
        %add3A_220 = arith.constant 0 : i32
        %add3A_221 = arith.addi %mul3A_219, %add3A_220 : i32
        %add3A_222 = arith.constant 128 : i32
        %add3A_223 = arith.addi %add3A_221, %add3A_222 : i32
        %multiple_of3A_224 = tpu.assume_multiple %add3A_223, 8 : i32
        %dma_start3A_225 = arith.constant 0 : i32
        %dma_start3A_226 = arith.constant 128 : i32
        %dma_start3A_227 = arith.constant 0 : i32
        %dma_start3A_228 = tpu.memref_slice %arg6[%dma_start3A_225, %dma_start3A_226, %dma_start3A_227] : memref<4x200x64xf32, #tpu.memory_space<vmem>> -> memref<1x72x64xf32, #tpu.memory_space<vmem>>
        %dma_start3A_229 = tpu.memref_squeeze %dma_start3A_228 : memref<1x72x64xf32, #tpu.memory_space<vmem>> -> memref<72x64xf32, #tpu.memory_space<vmem>>
        %dma_start3A_230 = tpu.memref_slice %arg5[%multiple_of3A_224] : memref<25600xi32, #tpu.memory_space<vmem>> -> memref<72xi32, #tpu.memory_space<vmem>>
        %dma_start3A_231 = arith.constant 0 : i32
        %dma_start3A_232 = arith.constant 0 : i32
        %dma_start3A_233 = tpu.memref_slice %arg2[%dma_start3A_231, %dma_start3A_232] : memref<1000000x64xf32, #tpu.memory_space<hbm>> -> memref<1000000x64xf32, #tpu.memory_space<hbm>>
        tpu.enqueue_indirect_dma source(%dma_start3A_233 : memref<1000000x64xf32, #tpu.memory_space<hbm>>) target(%dma_start3A_229 : memref<72x64xf32, #tpu.memory_space<vmem>>) offsets(%dma_start3A_230 : memref<72xi32, #tpu.memory_space<vmem>>) semaphore(%arg8 : memref<!tpu.dma_semaphore, #tpu.memory_space<semaphore_mem>>)
        %mul3A_234 = arith.constant 800 : i32
        %mul3A_235 = arith.muli %add3A_153, %mul3A_234 : i32
        %add3A_236 = arith.constant 200 : i32
        %add3A_237 = arith.addi %mul3A_235, %add3A_236 : i32
        %add3A_238 = arith.constant 0 : i32
        %add3A_239 = arith.addi %add3A_237, %add3A_238 : i32
        %multiple_of3A_240 = tpu.assume_multiple %add3A_239, 8 : i32
        %dma_start3A_241 = arith.constant 1 : i32
        %dma_start3A_242 = arith.constant 0 : i32
        %dma_start3A_243 = arith.constant 0 : i32
        %dma_start3A_244 = tpu.memref_slice %arg6[%dma_start3A_241, %dma_start3A_242, %dma_start3A_243] : memref<4x200x64xf32, #tpu.memory_space<vmem>> -> memref<1x128x64xf32, #tpu.memory_space<vmem>>
        %dma_start3A_245 = tpu.memref_squeeze %dma_start3A_244 : memref<1x128x64xf32, #tpu.memory_space<vmem>> -> memref<128x64xf32, #tpu.memory_space<vmem>>
        %dma_start3A_246 = tpu.memref_slice %arg5[%multiple_of3A_240] : memref<25600xi32, #tpu.memory_space<vmem>> -> memref<128xi32, #tpu.memory_space<vmem>>
        %dma_start3A_247 = arith.constant 0 : i32
        %dma_start3A_248 = arith.constant 0 : i32
        %dma_start3A_249 = tpu.memref_slice %arg2[%dma_start3A_247, %dma_start3A_248] : memref<1000000x64xf32, #tpu.memory_space<hbm>> -> memref<1000000x64xf32, #tpu.memory_space<hbm>>
        tpu.enqueue_indirect_dma source(%dma_start3A_249 : memref<1000000x64xf32, #tpu.memory_space<hbm>>) target(%dma_start3A_245 : memref<128x64xf32, #tpu.memory_space<vmem>>) offsets(%dma_start3A_246 : memref<128xi32, #tpu.memory_space<vmem>>) semaphore(%arg8 : memref<!tpu.dma_semaphore, #tpu.memory_space<semaphore_mem>>)
        %mul3A_250 = arith.constant 800 : i32
        %mul3A_251 = arith.muli %add3A_153, %mul3A_250 : i32
        %add3A_252 = arith.constant 200 : i32
        %add3A_253 = arith.addi %mul3A_251, %add3A_252 : i32
        %add3A_254 = arith.constant 128 : i32
        %add3A_255 = arith.addi %add3A_253, %add3A_254 : i32
        %multiple_of3A_256 = tpu.assume_multiple %add3A_255, 8 : i32
        %dma_start3A_257 = arith.constant 1 : i32
        %dma_start3A_258 = arith.constant 128 : i32
        %dma_start3A_259 = arith.constant 0 : i32
        %dma_start3A_260 = tpu.memref_slice %arg6[%dma_start3A_257, %dma_start3A_258, %dma_start3A_259] : memref<4x200x64xf32, #tpu.memory_space<vmem>> -> memref<1x72x64xf32, #tpu.memory_space<vmem>>
        %dma_start3A_261 = tpu.memref_squeeze %dma_start3A_260 : memref<1x72x64xf32, #tpu.memory_space<vmem>> -> memref<72x64xf32, #tpu.memory_space<vmem>>
        %dma_start3A_262 = tpu.memref_slice %arg5[%multiple_of3A_256] : memref<25600xi32, #tpu.memory_space<vmem>> -> memref<72xi32, #tpu.memory_space<vmem>>
        %dma_start3A_263 = arith.constant 0 : i32
        %dma_start3A_264 = arith.constant 0 : i32
        %dma_start3A_265 = tpu.memref_slice %arg2[%dma_start3A_263, %dma_start3A_264] : memref<1000000x64xf32, #tpu.memory_space<hbm>> -> memref<1000000x64xf32, #tpu.memory_space<hbm>>
        tpu.enqueue_indirect_dma source(%dma_start3A_265 : memref<1000000x64xf32, #tpu.memory_space<hbm>>) target(%dma_start3A_261 : memref<72x64xf32, #tpu.memory_space<vmem>>) offsets(%dma_start3A_262 : memref<72xi32, #tpu.memory_space<vmem>>) semaphore(%arg8 : memref<!tpu.dma_semaphore, #tpu.memory_space<semaphore_mem>>)
        %mul3A_266 = arith.constant 800 : i32
        %mul3A_267 = arith.muli %add3A_153, %mul3A_266 : i32
        %add3A_268 = arith.constant 400 : i32
        %add3A_269 = arith.addi %mul3A_267, %add3A_268 : i32
        %add3A_270 = arith.constant 0 : i32
        %add3A_271 = arith.addi %add3A_269, %add3A_270 : i32
        %multiple_of3A_272 = tpu.assume_multiple %add3A_271, 8 : i32
        %dma_start3A_273 = arith.constant 2 : i32
        %dma_start3A_274 = arith.constant 0 : i32
        %dma_start3A_275 = arith.constant 0 : i32
        %dma_start3A_276 = tpu.memref_slice %arg6[%dma_start3A_273, %dma_start3A_274, %dma_start3A_275] : memref<4x200x64xf32, #tpu.memory_space<vmem>> -> memref<1x128x64xf32, #tpu.memory_space<vmem>>
        %dma_start3A_277 = tpu.memref_squeeze %dma_start3A_276 : memref<1x128x64xf32, #tpu.memory_space<vmem>> -> memref<128x64xf32, #tpu.memory_space<vmem>>
        %dma_start3A_278 = tpu.memref_slice %arg5[%multiple_of3A_272] : memref<25600xi32, #tpu.memory_space<vmem>> -> memref<128xi32, #tpu.memory_space<vmem>>
        %dma_start3A_279 = arith.constant 0 : i32
        %dma_start3A_280 = arith.constant 0 : i32
        %dma_start3A_281 = tpu.memref_slice %arg2[%dma_start3A_279, %dma_start3A_280] : memref<1000000x64xf32, #tpu.memory_space<hbm>> -> memref<1000000x64xf32, #tpu.memory_space<hbm>>
        tpu.enqueue_indirect_dma source(%dma_start3A_281 : memref<1000000x64xf32, #tpu.memory_space<hbm>>) target(%dma_start3A_277 : memref<128x64xf32, #tpu.memory_space<vmem>>) offsets(%dma_start3A_278 : memref<128xi32, #tpu.memory_space<vmem>>) semaphore(%arg8 : memref<!tpu.dma_semaphore, #tpu.memory_space<semaphore_mem>>)
        %mul3A_282 = arith.constant 800 : i32
        %mul3A_283 = arith.muli %add3A_153, %mul3A_282 : i32
        %add3A_284 = arith.constant 400 : i32
        %add3A_285 = arith.addi %mul3A_283, %add3A_284 : i32
        %add3A_286 = arith.constant 128 : i32
        %add3A_287 = arith.addi %add3A_285, %add3A_286 : i32
        %multiple_of3A_288 = tpu.assume_multiple %add3A_287, 8 : i32
        %dma_start3A_289 = arith.constant 2 : i32
        %dma_start3A_290 = arith.constant 128 : i32
        %dma_start3A_291 = arith.constant 0 : i32
        %dma_start3A_292 = tpu.memref_slice %arg6[%dma_start3A_289, %dma_start3A_290, %dma_start3A_291] : memref<4x200x64xf32, #tpu.memory_space<vmem>> -> memref<1x72x64xf32, #tpu.memory_space<vmem>>
        %dma_start3A_293 = tpu.memref_squeeze %dma_start3A_292 : memref<1x72x64xf32, #tpu.memory_space<vmem>> -> memref<72x64xf32, #tpu.memory_space<vmem>>
        %dma_start3A_294 = tpu.memref_slice %arg5[%multiple_of3A_288] : memref<25600xi32, #tpu.memory_space<vmem>> -> memref<72xi32, #tpu.memory_space<vmem>>
        %dma_start3A_295 = arith.constant 0 : i32
        %dma_start3A_296 = arith.constant 0 : i32
        %dma_start3A_297 = tpu.memref_slice %arg2[%dma_start3A_295, %dma_start3A_296] : memref<1000000x64xf32, #tpu.memory_space<hbm>> -> memref<1000000x64xf32, #tpu.memory_space<hbm>>
        tpu.enqueue_indirect_dma source(%dma_start3A_297 : memref<1000000x64xf32, #tpu.memory_space<hbm>>) target(%dma_start3A_293 : memref<72x64xf32, #tpu.memory_space<vmem>>) offsets(%dma_start3A_294 : memref<72xi32, #tpu.memory_space<vmem>>) semaphore(%arg8 : memref<!tpu.dma_semaphore, #tpu.memory_space<semaphore_mem>>)
        %mul3A_298 = arith.constant 800 : i32
        %mul3A_299 = arith.muli %add3A_153, %mul3A_298 : i32
        %add3A_300 = arith.constant 600 : i32
        %add3A_301 = arith.addi %mul3A_299, %add3A_300 : i32
        %add3A_302 = arith.constant 0 : i32
        %add3A_303 = arith.addi %add3A_301, %add3A_302 : i32
        %multiple_of3A_304 = tpu.assume_multiple %add3A_303, 8 : i32
        %dma_start3A_305 = arith.constant 3 : i32
        %dma_start3A_306 = arith.constant 0 : i32
        %dma_start3A_307 = arith.constant 0 : i32
        %dma_start3A_308 = tpu.memref_slice %arg6[%dma_start3A_305, %dma_start3A_306, %dma_start3A_307] : memref<4x200x64xf32, #tpu.memory_space<vmem>> -> memref<1x128x64xf32, #tpu.memory_space<vmem>>
        %dma_start3A_309 = tpu.memref_squeeze %dma_start3A_308 : memref<1x128x64xf32, #tpu.memory_space<vmem>> -> memref<128x64xf32, #tpu.memory_space<vmem>>
        %dma_start3A_310 = tpu.memref_slice %arg5[%multiple_of3A_304] : memref<25600xi32, #tpu.memory_space<vmem>> -> memref<128xi32, #tpu.memory_space<vmem>>
        %dma_start3A_311 = arith.constant 0 : i32
        %dma_start3A_312 = arith.constant 0 : i32
        %dma_start3A_313 = tpu.memref_slice %arg2[%dma_start3A_311, %dma_start3A_312] : memref<1000000x64xf32, #tpu.memory_space<hbm>> -> memref<1000000x64xf32, #tpu.memory_space<hbm>>
        tpu.enqueue_indirect_dma source(%dma_start3A_313 : memref<1000000x64xf32, #tpu.memory_space<hbm>>) target(%dma_start3A_309 : memref<128x64xf32, #tpu.memory_space<vmem>>) offsets(%dma_start3A_310 : memref<128xi32, #tpu.memory_space<vmem>>) semaphore(%arg8 : memref<!tpu.dma_semaphore, #tpu.memory_space<semaphore_mem>>)
        %mul3A_314 = arith.constant 800 : i32
        %mul3A_315 = arith.muli %add3A_153, %mul3A_314 : i32
        %add3A_316 = arith.constant 600 : i32
        %add3A_317 = arith.addi %mul3A_315, %add3A_316 : i32
        %add3A_318 = arith.constant 128 : i32
        %add3A_319 = arith.addi %add3A_317, %add3A_318 : i32
        %multiple_of3A_320 = tpu.assume_multiple %add3A_319, 8 : i32
        %dma_start3A_321 = arith.constant 3 : i32
        %dma_start3A_322 = arith.constant 128 : i32
        %dma_start3A_323 = arith.constant 0 : i32
        %dma_start3A_324 = tpu.memref_slice %arg6[%dma_start3A_321, %dma_start3A_322, %dma_start3A_323] : memref<4x200x64xf32, #tpu.memory_space<vmem>> -> memref<1x72x64xf32, #tpu.memory_space<vmem>>
        %dma_start3A_325 = tpu.memref_squeeze %dma_start3A_324 : memref<1x72x64xf32, #tpu.memory_space<vmem>> -> memref<72x64xf32, #tpu.memory_space<vmem>>
        %dma_start3A_326 = tpu.memref_slice %arg5[%multiple_of3A_320] : memref<25600xi32, #tpu.memory_space<vmem>> -> memref<72xi32, #tpu.memory_space<vmem>>
        %dma_start3A_327 = arith.constant 0 : i32
        %dma_start3A_328 = arith.constant 0 : i32
        %dma_start3A_329 = tpu.memref_slice %arg2[%dma_start3A_327, %dma_start3A_328] : memref<1000000x64xf32, #tpu.memory_space<hbm>> -> memref<1000000x64xf32, #tpu.memory_space<hbm>>
        tpu.enqueue_indirect_dma source(%dma_start3A_329 : memref<1000000x64xf32, #tpu.memory_space<hbm>>) target(%dma_start3A_325 : memref<72x64xf32, #tpu.memory_space<vmem>>) offsets(%dma_start3A_326 : memref<72xi32, #tpu.memory_space<vmem>>) semaphore(%arg8 : memref<!tpu.dma_semaphore, #tpu.memory_space<semaphore_mem>>)
      } else {
      }
      %dma_wait3A_159 = arith.constant 0 : i32
      %dma_wait3A_160 = tpu.memref_slice %arg5[%dma_wait3A_159] : memref<25600xi32, #tpu.memory_space<vmem>> -> memref<8xi32, #tpu.memory_space<vmem>>
      %dma_wait3A_161 = arith.constant 0 : i32
      %dma_wait3A_162 = arith.constant 0 : i32
      %dma_wait3A_163 = tpu.memref_slice %arg2[%dma_wait3A_161, %dma_wait3A_162] : memref<1000000x64xf32, #tpu.memory_space<hbm>> -> memref<1000000x64xf32, #tpu.memory_space<hbm>>
      tpu.wait_indirect_dma semaphore(%arg9 : memref<!tpu.dma_semaphore, #tpu.memory_space<semaphore_mem>>) src(%dma_wait3A_163 : memref<1000000x64xf32, #tpu.memory_space<hbm>>) dst(%arg7 : memref<4x200x64xf32, #tpu.memory_space<vmem>>)
      %mul3A_164 = arith.constant 800 : i32
      %mul3A_165 = arith.muli %add3A_151, %mul3A_164 : i32
      %add3A_166 = arith.addi %mul3A_2, %mul3A_165 : i32
      %jit3A_167 = arith.constant 200 : i32
      %div3A_168 = arith.divsi %add3A_166, %jit3A_167 : i32
      %sign3A_169 = arith.constant 0 : i32
      %sign3A_170 = arith.cmpi sgt, %add3A_166, %sign3A_169 : i32
      %sign3A_171 = arith.extui %sign3A_170 : i1 to i32
      %sign3A_172 = arith.constant 0 : i32
      %sign3A_173 = arith.cmpi slt, %add3A_166, %sign3A_172 : i32
      %sign3A_174 = arith.extui %sign3A_173 : i1 to i32
      %sign3A_175 = arith.subi %sign3A_171, %sign3A_174 : i32
      %sign3A_176 = arith.constant 0 : i32
      %sign3A_177 = arith.cmpi sgt, %jit3A_167, %sign3A_176 : i32
      %sign3A_178 = arith.extui %sign3A_177 : i1 to i32
      %sign3A_179 = arith.constant 0 : i32
      %sign3A_180 = arith.cmpi slt, %jit3A_167, %sign3A_179 : i32
      %sign3A_181 = arith.extui %sign3A_180 : i1 to i32
      %sign3A_182 = arith.subi %sign3A_178, %sign3A_181 : i32
      %ne3A_183 = arith.cmpi ne, %sign3A_175, %sign3A_182 : i32
      %rem3A_184 = arith.remsi %add3A_166, %jit3A_167 : i32
      %ne3A_185 = arith.constant 0 : i32
      %ne3A_186 = arith.cmpi ne, %rem3A_184, %ne3A_185 : i32
      %and3A_187 = arith.andi %ne3A_183, %ne3A_186 : i1
      %sub3A_188 = arith.constant 1 : i32
      %sub3A_189 = arith.subi %div3A_168, %sub3A_188 : i32
      %select_n3A_190 = arith.select %and3A_187, %sub3A_189, %div3A_168 : i32
      %multiple_of3A_191 = tpu.assume_multiple %select_n3A_190, 4 : i32
      %dma_start3A_192 = arith.constant 0 : i32
      %dma_start3A_193 = arith.constant 0 : i32
      %dma_start3A_194 = tpu.memref_slice %arg4[%multiple_of3A_191, %dma_start3A_192, %dma_start3A_193] : memref<4096x200x64xf32, #tpu.memory_space<hbm>> -> memref<4x200x64xf32, #tpu.memory_space<hbm>>
      %dma_start3A_195 = arith.constant 0 : i32
      %dma_start3A_196 = arith.constant 0 : i32
      %dma_start3A_197 = tpu.memref_slice %arg4[%multiple_of3A_191, %dma_start3A_195, %dma_start3A_196] : memref<4096x200x64xf32, #tpu.memory_space<hbm>> -> memref<4x200x64xf32, #tpu.memory_space<hbm>>
      tpu.enqueue_dma source(%arg7 : memref<4x200x64xf32, #tpu.memory_space<vmem>>) target(%dma_start3A_197 : memref<4x200x64xf32, #tpu.memory_space<hbm>>) target_semaphore(%arg11 : memref<!tpu.dma_semaphore, #tpu.memory_space<semaphore_mem>>)
    }
    %scan3A_94 = arith.constant 16 : i32
    %dma_wait3A = arith.constant 0 : i32
    %dma_wait3A_95 = arith.constant 0 : i32
    %dma_wait3A_96 = arith.constant 0 : i32
    %dma_wait3A_97 = tpu.memref_slice %arg4[%dma_wait3A, %dma_wait3A_95, %dma_wait3A_96] : memref<4096x200x64xf32, #tpu.memory_space<hbm>> -> memref<4x200x64xf32, #tpu.memory_space<hbm>>
    %dma_wait3A_98 = arith.constant 0 : i32
    %dma_wait3A_99 = arith.constant 0 : i32
    %dma_wait3A_100 = arith.constant 0 : i32
    %dma_wait3A_101 = tpu.memref_slice %arg4[%dma_wait3A_98, %dma_wait3A_99, %dma_wait3A_100] : memref<4096x200x64xf32, #tpu.memory_space<hbm>> -> memref<4x200x64xf32, #tpu.memory_space<hbm>>
    tpu.wait_dma2 semaphore(%arg10 : memref<!tpu.dma_semaphore, #tpu.memory_space<semaphore_mem>>) src(%arg6 : memref<4x200x64xf32, #tpu.memory_space<vmem>>) dst(%dma_wait3A_101 : memref<4x200x64xf32, #tpu.memory_space<hbm>>)
    %dma_wait3A_102 = arith.constant 0 : i32
    %dma_wait3A_103 = arith.constant 0 : i32
    %dma_wait3A_104 = arith.constant 0 : i32
    %dma_wait3A_105 = tpu.memref_slice %arg4[%dma_wait3A_102, %dma_wait3A_103, %dma_wait3A_104] : memref<4096x200x64xf32, #tpu.memory_space<hbm>> -> memref<4x200x64xf32, #tpu.memory_space<hbm>>
    %dma_wait3A_106 = arith.constant 0 : i32
    %dma_wait3A_107 = arith.constant 0 : i32
    %dma_wait3A_108 = arith.constant 0 : i32
    %dma_wait3A_109 = tpu.memref_slice %arg4[%dma_wait3A_106, %dma_wait3A_107, %dma_wait3A_108] : memref<4096x200x64xf32, #tpu.memory_space<hbm>> -> memref<4x200x64xf32, #tpu.memory_space<hbm>>
    tpu.wait_dma2 semaphore(%arg11 : memref<!tpu.dma_semaphore, #tpu.memory_space<semaphore_mem>>) src(%arg7 : memref<4x200x64xf32, #tpu.memory_space<vmem>>) dst(%dma_wait3A_109 : memref<4x200x64xf32, #tpu.memory_space<hbm>>)
    return
  }
}

</mosaic_0001>

<sc_bundles>
// kernel: kernel.3.cloned.1.call-start
scs
__scs_entry_jumppad:
0x0: {  	(pc) =	sbr.rel $0x88, $3  }
0x1: {  	(tag) =	ssettag $0x0;
	lr =	simm.s32 $0x1  }
0x2: {  	[smem:$0x3F9F] =	sst lr;
	_ =	strace $0xD0000000  }
0x3: {  	_ = 	snop  }
0x4: {  	_ = 	snop  }
0x5: {  	_ = 	snop  }
0x6: {  	_ = 	snop  }
0x7: {  	_ = 	snop  }
__scs_overlays_trampoline_lowered:
0x8: {  	[smem:$0x3FAE] =	sst s0  }
0x9: {  	[smem:$0x3FAF] =	sst s1  }
0xa: {  	[smem:$0x3FB0] =	sst s2  }
0xb: {  	[smem:$0x3FB1] =	sst s3  }
0xc: {  	[smem:$0x3FB2] =	sst s4  }
0xd: {  	[smem:$0x3FB3] =	sst s5  }
0xe: {  	[smem:$0x3FB4] =	sst s6  }
0xf: {  	[smem:$0x3FB5] =	sst s7  }
0x10: {  	[smem:$0x3FB6] =	sst s8  }
0x11: {  	[smem:$0x3FB7] =	sst s9;
	s0 =	simm.s32 @!p0 $0x0  }
0x12: {  	s1 =	sld [smem:$0x3F9D];
	s0 =	simm.s32 @p0 $0x1  }
0x13: {  	[smem:$0x3FB8] =	sst s0;
	s0 =	simm.s32 @!p1 $0x0  }
0x14: {  	s2 =	sld [smem:$0x3F9C];
	s0 =	simm.s32 @p1 $0x1  }
0x15: {  	[smem:$0x3FB9] =	sst s0;
	s0 =	simm.s32 @!p2 $0x0  }
0x16: {  	s3 =	sld [smem:$0x3FDB];
	s0 =	simm.s32 @p2 $0x1  }
0x17: {  	s4 =	simm.s32 $0x1BF5;
	[smem:$0x3FBB] =	sst s0  }
0x18: {  	s0 =	sld [smem:$0x3F9E];
	_ =	swait.ge [sflag:s4], $0x0  }
0x19: {  	s7 =	sld [smem:$0x3F9F]  }
0x1a: {  	s8 =	sadd.s32 $0xFFFFE003, lr  }
0x1b: {  	s9 =	sadd.s32 $0xFFFFFEF7, lr;
	s5 =	simm.s32 $0xFFFFFFFF;
	p2 =	slt.u32 s8, $0xFFFFF086  }
0x1c: {  	p1 =	slt.u32 s9, $0xF7A;
	s5 =	simm.s32 @!p2 $0x0  }
0x1d: {  	s5 =	simm.s32 @p1 $0x1;
	p0 =	seq.s32 s7, s2  }
0x1e: {  	s7 =	smul.u32 @!p0 $0xF7A, s2;
	p2 =	seq.s32 @!p0 s5, $0x0  }
0x1f: {  	s9 =	smul.u32 $0xF7A, s1;
	s8 =	simm.s32 @!p0 $0x1BF5;
	p2 =	por !p2, p0  }
0x20: {  	[sflag:s8] =	ssyncset.s32 @!p0 $0xFFFFF086;
	s6 =	sadd.s32 @!p0 s3, s7;
	s7 =	simm.s32 @!p0 $0x108  }
0x21: {  	s3 =	sadd.s32 s3, s9;
	s6 =	sadd.s32 @!p0 $0x88, s6;
	s7 =	simm.s32 @p2 $0x1082  }
0x22: {  	[simem:s7], [sflag:s8] =	dma.local @!p0 [hbm:s6], $0xF7A  }
0x23: {  	s9 =	sor.u32 $0xD0000000, s2;
	s6 =	simm.s32 $0x108;
	_ =	swait.ge @!p0 [sflag:s8], $0x0  }
0x24: {  	s3 =	sadd.s32 $0x88, s3;
	s6 =	simm.s32 @!p1 $0x1082;
	[sflag:s4] =	ssyncset.s32 $0xFFFFF086  }
0x25: {  	[simem:s6], [sflag:s4] =	dma.local [hbm:s3], $0xF7A  }
0x26: {  	[smem:$0x3F9F] =	sst s1;
	(tag) =	ssettag s2;
	_ =	strace s9  }
0x27: {  	s1 =	sld [smem:$0x3FAF]  }
0x28: {  	s2 =	sld [smem:$0x3FB0]  }
0x29: {  	s4 =	sld [smem:$0x3FB2]  }
0x2a: {  	p0 =	seq.s32 s5, $0x0;
	s5 =	sld [smem:$0x3FB3]  }
0x2b: {  	s6 =	sld [smem:$0x3FB4]  }
0x2c: {  	s7 =	sld [smem:$0x3FB5]  }
0x2d: {  	s3 =	simm.s32 $0x108;
	s8 =	sld [smem:$0x3FB6]  }
0x2e: {  	s3 =	simm.s32 @!p0 $0x1082;
	s9 =	sld [smem:$0x3FB7]  }
0x2f: {  	lr =	sadd.s32 s0, s3;
	s0 =	sld [smem:$0x3FAE]  }
0x30: {  	s3 =	sld [smem:$0x3FB1]  }
0x31: {  	[smem:$0x3FBA] =	sst s10  }
0x32: {  	s10 =	sld [smem:$0x3FB8];
	_ =	sdelay $0x3  }
0x33: {  	p0 =	seq.s32 s10, $0x1;
	s10 =	sld [smem:$0x3FBA];
	_ =	sdelay $0x3  }
0x34: {  	[smem:$0x3FBA] =	sst s10  }
0x35: {  	s10 =	sld [smem:$0x3FB9];
	_ =	sdelay $0x3  }
0x36: {  	p1 =	seq.s32 s10, $0x1;
	s10 =	sld [smem:$0x3FBA];
	_ =	sdelay $0x3  }
0x37: {  	[smem:$0x3FBA] =	sst s10  }
0x38: {  	s10 =	sld [smem:$0x3FBB]  }
0x39: {  	_ = 	snop;
	(pc) =	sbr.ind lr, $3  }
0x3a: {  	_ = 	snop  }
0x3b: {  	_ = 	snop  }
0x3c: {  	p2 =	seq.s32 s10, $0x1;
	s10 =	sld [smem:$0x3FBA]  }
0x3d: {  	_ =	shalt  }
0x3e: {  	_ =	shalt  }
0x3f: {  	_ =	shalt  }
0x40: {  	_ =	shalt  }
0x41: {  	_ =	shalt  }
0x42: {  	_ =	shalt  }
0x43: {  	_ =	shalt  }
0x44: {  	_ =	shalt  }
0x45: {  	_ =	shalt  }
0x46: {  	_ =	shalt  }
0x47: {  	_ =	shalt  }
0x48: {  	_ =	shalt  }
0x49: {  	_ =	shalt  }
0x4a: {  	_ =	shalt  }
0x4b: {  	_ =	shalt  }
0x4c: {  	_ =	shalt  }
0x4d: {  	_ =	shalt  }
0x4e: {  	_ =	shalt  }
0x4f: {  	_ =	shalt  }
0x50: {  	_ =	shalt  }
0x51: {  	_ =	shalt  }
0x52: {  	_ =	shalt  }
0x53: {  	_ =	shalt  }
0x54: {  	_ =	shalt  }
0x55: {  	_ =	shalt  }
0x56: {  	_ =	shalt  }
0x57: {  	_ =	shalt  }
0x58: {  	_ =	shalt  }
0x59: {  	_ =	shalt  }
0x5a: {  	_ =	shalt  }
0x5b: {  	_ =	shalt  }
0x5c: {  	_ =	shalt  }
0x5d: {  	_ =	shalt  }
0x5e: {  	_ =	shalt  }
0x5f: {  	_ =	shalt  }
0x60: {  	_ =	shalt  }
0x61: {  	_ =	shalt  }
0x62: {  	_ =	shalt  }
0x63: {  	_ =	shalt  }
0x64: {  	_ =	shalt  }
0x65: {  	_ =	shalt  }
0x66: {  	_ =	shalt  }
0x67: {  	_ =	shalt  }
0x68: {  	_ =	shalt  }
0x69: {  	_ =	shalt  }
0x6a: {  	_ =	shalt  }
0x6b: {  	_ =	shalt  }
0x6c: {  	_ =	shalt  }
0x6d: {  	_ =	shalt  }
0x6e: {  	_ =	shalt  }
0x6f: {  	_ =	shalt  }
0x70: {  	_ =	shalt  }
0x71: {  	_ =	shalt  }
0x72: {  	_ =	shalt  }
0x73: {  	_ =	shalt  }
0x74: {  	_ =	shalt  }
0x75: {  	_ =	shalt  }
0x76: {  	_ =	shalt  }
0x77: {  	_ =	shalt  }
0x78: {  	_ =	shalt  }
0x79: {  	_ =	shalt  }
0x7a: {  	_ =	shalt  }
0x7b: {  	_ =	shalt  }
0x7c: {  	_ =	shalt  }
0x7d: {  	_ =	shalt  }
0x7e: {  	_ =	shalt  }
0x7f: {  	_ =	shalt  }
0x80: {  	_ =	shalt  }
0x81: {  	_ =	shalt  }
0x82: {  	_ =	shalt  }
0x83: {  	_ =	shalt  }
0x84: {  	_ =	shalt  }
0x85: {  	_ =	shalt  }
0x86: {  	_ =	shalt  }
0x87: {  	_ =	shalt  }
.Lfunc_end0:
.L_simem_size_0:
called_computation.1_lowered:
.L_overlay_start_0:
0x88: {  	s2 =	sld [smem:$0x3FD9]  }
0x89: {  	s3 =	sld [smem:$0x3FFE];
	_ =	sdelay $0x1  }
0x8a: {  	s1 =	srdreg.scid  }
0x8b: {  	s0 =	sand.u32 $0x1, s1  }
0x8c: {  	s17 =	sshll.u32 s0, $0xA;
	s2 =	sadd.s32 s3, s2  }
0x8d: {  	s2 =	sadd.s32 s2, s17  }
0x8e: {  	[smem:$0x3FC6] =	sst s2  }
0x8f: {  	_ = 	snop  }
0x90: {  	s2 =	sld [smem:$0x3FD0];
	(tm) =	ssettm $0x1  }
0x91: {  	s18 =	sld [smem:$0x3FFB];
	_ =	sdelay $0x3  }
0x92: {  	_ =	strace s18  }
0x93: {  	s3 =	sld [smem:$0x3FFC];
	_ =	sdelay $0x3  }
0x94: {  	_ =	strace s3  }
0x95: {  	s3 =	sld [smem:$0x3FFD];
	_ =	sdelay $0x3  }
0x96: {  	_ =	strace s3  }
0x97: {  	_ =	strace $0x8FFFFFFF  }
0x98: {  	s19 =	sld [smem:$0x3FDB];
	_ =	sdelay $0x1  }
0x99: {  	s4 =	simm.s32 $_scs_section_size  }
0x9a: {  	s5 =	simm.s32 $_size__tile_overlayer_lowered;
	s6 =	simm.s32 $_tile_overlayer_lowered  }
0x9b: {  	s22 =	simm.s32 $0x1BFF;
	s21 =	sshll.u32 s6, $0x1;
	s3 =	sadd.s32 s4, s19  }
0x9c: {  	s7 =	simm.s32 $0x0;
	s20 =	sshll.u32 s5, $0x1;
	s5 =	sadd.s32 s21, s3  }
0x9d: {  	[timem:s7], [sflag:s22] =	dma.local [hbm:s5], s20  }
0x9e: {  	_ =	swait.ge [sflag:s22], s20  }
0x9f: {  	s4 =	ssub.s32 $0x0, s20;
	[sflag:s22] =	ssyncset.done $0x0  }
0xa0: {  	[sflag:s22] =	ssyncadd.s32 s4;
	_ =	sdelay $0x1  }
0xa1: {  	s23 =	simm.s32 $0x1B8B  }
0xa2: {  	_ =	swait.ge [sflag:s23], $0x1  }
0xa3: {  	[sflag:s23] =	ssyncset.done $0x0  }
0xa4: {  	s25 =	simm.s32 $0x1B8E;
	s24 =	sld [smem:$0x3FFE];
	[sflag:s23] =	ssyncadd.s32 $0xFFFFFFFF  }
0xa5: {  	s26 =	simm.s32 $execute0_lowered;
	[smem:$0x3FD2] =	sst s25  }
0xa6: {  	s5 =	sshll.u32 s26, $0x1;
	_ =	strace $0x80000046;
	[dreg:$0x1] =	wrdreg $0xFFFFFFFF  }
0xa7: {  	s28 =	simm.s32 $_size_execute0_lowered;
	s3 =	sadd.s32 s3, s5;
	[dreg:$0x0] =	wrdreg $0x0  }
0xa8: {  	s5 =	sshll.u32 s28, $0x1;
	[dreg:$0x2] =	wrdreg s3  }
0xa9: {  	[dreg:$0x3] =	wrdreg s5  }
0xaa: {  	[dreg:$0x4] =	wrdreg $0xC0  }
0xab: {  	_ =	task [dreg:s7], $0x5FFFF  }
0xac: {  	[dreg:$0x1] =	wrdreg $0xFFFFFFFF  }
0xad: {  	[dreg:$0x0] =	wrdreg $0x60  }
0xae: {  	[dreg:$0x2] =	wrdreg s24  }
0xaf: {  	[dreg:$0x3] =	wrdreg s2  }
0xb0: {  	[dreg:$0x4] =	wrdreg $0x9  }
0xb1: {  	_ =	task.clear_ibuf [dreg:s7], $0x5FFFF;
	_ =	strace $0x90000046  }
0xb2: {  	s29 =	simm.s32 $0x9;
	_ =	strace $0x80000048  }
0xb3: {  	_ =	swait.ge [sflag:s29], $0x1  }
0xb4: {  	[sflag:s29] =	ssyncadd.s32 $0xFFFFFFFF  }
0xb5: {  	_ =	strace $0x90000048  }
0xb6: {  	_ =	sfence  }
0xb7: {  	s30 =	sld [smem:$0x0];
	_ =	sdelay $0x2  }
0xb8: {  	s31 =	sshll.u32 s1, $0xD;
	s1 =	sshrl.u32 s1, $0x2  }
0xb9: {  	s3 =	sand.u32 $0x4000, s31;
	s1 =	sadd.s32 s1, s30  }
0xba: {  	s0 =	sor.u32 s3, s0;
	s1 =	sshll.u32 s1, $0x11  }
0xbb: {  	s0 =	sor.u32 s1, s0  }
0xbc: {  	s0 =	sadd.s32 $0x8F2B, s0  }
0xbd: {  	[sflag:s0] =	ssyncadd.remote.s32 $0x1  }
0xbe: {  	_ =	sfence.sel $0xFFFF  }
0xbf: {  	[dreg:$0x0] =	wrdreg $0xFFFFFFFF;
	(pc) =	sbr.abs _section_cstart, $3  }
0xc0: {  	[dreg:$0x1] =	wrdreg $0xFFFFFFFF  }
0xc1: {  	_ =	task.clear_ibuf [dreg:s7], $0x2FFFF;
	_ =	strace $0x9FFFFFFF  }
0xc2: {  	(tm) =	ssettm $0x7FFFFFFF  }
0xc3: {  	_ =	shalt  }
tec
execute0_lowered:
.L_overlay_start_1:
0x0: {  	(tag) =	ssettag $0x1  }
0x1: {  	s0 =	srdreg.scid  }
0x2: {  	s2 =	stileid.u32;
	s1 =	rddreg [dreg:$0x0]  }
0x3: {  	s7 =	rddreg [dreg:$0x1];
	s10 =	simm.s32 $0x6400;
	s11 =	simm.s32 $0x48  }
0x4: {  	s20 =	simm.s32 $0x14C00;
	s21 =	simm.s32 $0x15E00;
	s22 =	simm.s32 $0x17E00  }
0x5: {  	s0 =	sand.u32 $0x1, s0;
	s3 =	smul.u32 $0xC800, s2;
	s2 =	sshll.u32 s2, $0x1  }
0x6: {  	s23 =	simm.s32 $0x19000;
	s5 =	sor.u32 s0, s2;
	s2 =	simm.s32 $0x0  }
0x7: {  	s24 =	simm.s32 $0x1B000;
	s25 =	simm.s32 $0x1C200;
	[smem:$0x7FF] =	sst s2  }
0x8: {  	s26 =	simm.s32 $0x1E200;
	_ =	strace $0x80000047;
	[dreg:$0x3] =	wrdreg s20  }
0x9: {  	s28 =	simm.s32 $0x2;
	s29 =	simm.s32 $0x3;
	[dreg:$0x4] =	wrdreg s21  }
0xa: {  	s30 =	simm.s32 $0x4;
	s31 =	simm.s32 $0x0;
	[dreg:$0x5] =	wrdreg s22  }
0xb: {  	s4 =	smul.u32 $0x6400, s0;
	s0 =	ssub.s32 $0x2, s0;
	[dreg:$0x6] =	wrdreg s23  }
0xc: {  	s5 =	smul.u32 $0x6400, s5;
	s6 =	sshrl.u32 s0, $0x1;
	[dreg:$0x7] =	wrdreg s24  }
0xd: {  	s3 =	sadd.s32 s4, s3;
	s0 =	ssub.s32 s0, s6;
	[dreg:$0x8] =	wrdreg s25  }
0xe: {  	s24 =	simm.s32 $0x11A00;
	s4 =	smulhi.u32 $0x147AE15, s3;
	s3 =	sor.u32 $0x320, s3  }
0xf: {  	[dreg:$0x9] =	wrdreg s26;
	s25 =	simm.s32 $0x12C00;
	s3 =	smulhi.u32 $0x147AE15, s3  }
0x10: {  	s26 =	simm.s32 $0x1;
	s5 =	sshrl.u32 s5, $0x3;
	s8 =	smul.u32 $0x640, s4  }
0x11: {  	s19 =	sadd.s32 s5, s1;
	s5 =	smax.u32 s0, $0x1;
	s9 =	smul.u32 $0x640, s3  }
0x12: {  	s4 =	sadd.s32 $0xA00, s19;
	s3 =	sadd.s32 $0xF42E00, s1;
	s6 =	sadd.s32 s8, s7  }
0x13: {  	s8 =	simm.s32 $0x5;
	s14 =	sadd.s32 s9, s7;
	s9 =	simm.s32 $0x80  }
.LBB2_1:
0x14: {  	[tilespmem:s2], [sflag:$0x5] =	stream.linear.gather [hbm4b:s4+s2], $0x6400, $0x38;
	[tilespmem:$0x1F400] =	vst v63  }
0x15: {  	_ =	swait.ge [sflag:s8], $0x6400  }
0x16: {  	[sflag:s8] =	ssyncset.done $0x0  }
0x17: {  	[sflag:s8] =	ssyncadd.s32 $0xFFFF9C00  }
0x18: {  	[tilespmem:s10], [sflag:$0x1] =	stream.indirect.gather [hbm4b:s3+s9], $0x40, s2, s9, $0xb8;
	[tilespmem:$0x1F400] =	vst v63  }
0x19: {  	s0 =	simm.s32 $0x8400  }
0x1a: {  	[tilespmem:s0], [sflag:$0x1] =	stream.indirect.gather [hbm4b:s3+s11], $0x40, s9, s11, $0xb8;
	[tilespmem:$0x1F400] =	vst v63  }
0x1b: {  	s23 =	simm.s32 $0xC8;
	s1 =	simm.s32 $0x9600  }
0x1c: {  	[tilespmem:s1], [sflag:$0x1] =	stream.indirect.gather [hbm4b:s3+s9], $0x40, s23, s9, $0xb8;
	[tilespmem:$0x1F400] =	vst v63  }
0x1d: {  	s7 =	simm.s32 $0x148;
	s12 =	simm.s32 $0xB600  }
0x1e: {  	[tilespmem:s12], [sflag:$0x1] =	stream.indirect.gather [hbm4b:s3+s11], $0x40, s7, s11, $0xb8;
	[tilespmem:$0x1F400] =	vst v63  }
0x1f: {  	s13 =	simm.s32 $0x190;
	s15 =	simm.s32 $0xC800  }
0x20: {  	[tilespmem:s15], [sflag:$0x1] =	stream.indirect.gather [hbm4b:s3+s9], $0x40, s13, s9, $0xb8;
	[tilespmem:$0x1F400] =	vst v63  }
0x21: {  	s16 =	simm.s32 $0x210;
	s17 =	simm.s32 $0xE800;
	p0 =	por $0x1, $0x1  }
0x22: {  	[tilespmem:s17], [sflag:$0x1] =	stream.indirect.gather [hbm4b:s3+s11], $0x40, s16, s11, $0xb8;
	[tilespmem:$0x1F400] =	vst v63  }
0x23: {  	s18 =	simm.s32 $0x258;
	s19 =	simm.s32 $0xFA00;
	p0 =	por p0, p0  }
0x24: {  	[tilespmem:s19], [sflag:$0x1] =	stream.indirect.gather [hbm4b:s3+s9], $0x40, s18, s9, $0xb8;
	[tilespmem:$0x1F400] =	vst v63  }
0x25: {  	s20 =	simm.s32 $0x2D8;
	s0 =	simm.s32 @!p0 $0x4  }
0x26: {  	[tilespmem:s24], [sflag:$0x1] =	stream.indirect.gather [hbm4b:s3+s11], $0x40, s20, s11, $0xb8;
	[tilespmem:$0x1F400] =	vst v63  }
0x27: {  	_ =	swait.ge @!p0 [sflag:s0], $0xC800  }
0x28: {  	[sflag:s0] =	ssyncset.done @!p0 $0x0  }
0x29: {  	s21 =	simm.s32 $0x320;
	[sflag:s0] =	ssyncadd.s32 @!p0 $0xFFFF3800  }
0x2a: {  	[tilespmem:s25], [sflag:$0x2] =	stream.indirect.gather [hbm4b:s3+s9], $0x40, s21, s9, $0xb8;
	[tilespmem:$0x1F400] =	vst v63  }
0x2b: {  	s23 =	simm.s32 $0x3A0;
	s22 =	rddreg [dreg:$0x3]  }
0x2c: {  	[tilespmem:s22], [sflag:$0x2] =	stream.indirect.gather [hbm4b:s3+s11], $0x40, s23, s11, $0xb8;
	[tilespmem:$0x1F400] =	vst v63  }
0x2d: {  	s12 =	simm.s32 $0x3E8;
	s7 =	rddreg [dreg:$0x4]  }
0x2e: {  	[tilespmem:s7], [sflag:$0x2] =	stream.indirect.gather [hbm4b:s3+s9], $0x40, s12, s9, $0xb8;
	[tilespmem:$0x1F400] =	vst v63  }
0x2f: {  	s15 =	simm.s32 $0x468;
	s13 =	rddreg [dreg:$0x5]  }
0x30: {  	[tilespmem:s13], [sflag:$0x2] =	stream.indirect.gather [hbm4b:s3+s11], $0x40, s15, s11, $0xb8;
	[tilespmem:$0x1F400] =	vst v63  }
0x31: {  	s17 =	simm.s32 $0x4B0;
	s16 =	rddreg [dreg:$0x6]  }
0x32: {  	[tilespmem:s16], [sflag:$0x2] =	stream.indirect.gather [hbm4b:s3+s9], $0x40, s17, s9, $0xb8;
	[tilespmem:$0x1F400] =	vst v63  }
0x33: {  	s19 =	simm.s32 $0x530;
	s18 =	rddreg [dreg:$0x7]  }
0x34: {  	[tilespmem:s18], [sflag:$0x2] =	stream.indirect.gather [hbm4b:s3+s11], $0x40, s19, s11, $0xb8;
	[tilespmem:$0x1F400] =	vst v63  }
0x35: {  	s20 =	rddreg [dreg:$0x8];
	s21 =	simm.s32 $0x578  }
0x36: {  	[tilespmem:s20], [sflag:$0x2] =	stream.indirect.gather [hbm4b:s3+s9], $0x40, s21, s9, $0xb8;
	[tilespmem:$0x1F400] =	vst v63  }
0x37: {  	s22 =	rddreg [dreg:$0x9];
	s23 =	simm.s32 $0x5F8  }
0x38: {  	[tilespmem:s22], [sflag:$0x2] =	stream.indirect.gather [hbm4b:s3+s11], $0x40, s23, s11, $0xb8;
	[tilespmem:$0x1F400] =	vst v63  }
0x39: {  	_ =	swait.ge [sflag:s26], $0xC800  }
0x3a: {  	p0 =	por $0x0, $0x0;
	[sflag:s26] =	ssyncset.done $0x0  }
0x3b: {  	s0 =	simm.s32 @!p0 $0x3;
	[sflag:s26] =	ssyncadd.s32 $0xFFFF3800  }
0x3c: {  	[hbm4b:s6+s2] =	stream.linear.scatter [tilespmem:s10], [sflag:$0x3], $0xC800, $0x38;
	[tilespmem:$0x1F400] =	vst v63  }
0x3d: {  	_ =	swait.ge @!p0 [sflag:s0], $0xC800  }
0x3e: {  	s1 =	simm.s32 @!p0 $0x640;
	[sflag:s0] =	ssyncset.done @!p0 $0x0  }
0x3f: {  	s7 =	simm.s32 @!p0 $0x80;
	s12 =	simm.s32 @!p0 $0x6400;
	[sflag:s0] =	ssyncadd.s32 @!p0 $0xFFFF3800  }
0x40: {  	[tilespmem:s12], [sflag:$0x1] =	stream.indirect.gather @!p0 [hbm4b:s3+s7], $0x40, s1, s7, $0xb8;
	[tilespmem:$0x1F400] =	vst v63  }
0x41: {  	s0 =	simm.s32 @!p0 $0x6C0;
	s1 =	simm.s32 @!p0 $0x48;
	s12 =	simm.s32 @!p0 $0x8400  }
0x42: {  	[tilespmem:s12], [sflag:$0x1] =	stream.indirect.gather @!p0 [hbm4b:s3+s1], $0x40, s0, s1, $0xb8;
	[tilespmem:$0x1F400] =	vst v63  }
0x43: {  	s0 =	simm.s32 @!p0 $0x708;
	s12 =	simm.s32 @!p0 $0x9600  }
0x44: {  	[tilespmem:s12], [sflag:$0x1] =	stream.indirect.gather @!p0 [hbm4b:s3+s7], $0x40, s0, s7, $0xb8;
	[tilespmem:$0x1F400] =	vst v63  }
0x45: {  	s0 =	simm.s32 @!p0 $0x788;
	s12 =	simm.s32 @!p0 $0xB600  }
0x46: {  	[tilespmem:s12], [sflag:$0x1] =	stream.indirect.gather @!p0 [hbm4b:s3+s1], $0x40, s0, s1, $0xb8;
	[tilespmem:$0x1F400] =	vst v63  }
0x47: {  	s0 =	simm.s32 @!p0 $0x7D0;
	s12 =	simm.s32 @!p0 $0xC800  }
0x48: {  	[tilespmem:s12], [sflag:$0x1] =	stream.indirect.gather @!p0 [hbm4b:s3+s7], $0x40, s0, s7, $0xb8;
	[tilespmem:$0x1F400] =	vst v63  }
0x49: {  	p1 =	por $0x0, $0x0;
	s0 =	simm.s32 @!p0 $0x850;
	s12 =	simm.s32 @!p0 $0xE800  }
0x4a: {  	[tilespmem:s12], [sflag:$0x1] =	stream.indirect.gather @!p0 [hbm4b:s3+s1], $0x40, s0, s1, $0xb8;
	[tilespmem:$0x1F400] =	vst v63  }
0x4b: {  	s13 =	simm.s32 @!p0 $0xFA00;
	s0 =	simm.s32 $0x1900;
	s12 =	simm.s32 @!p0 $0x898  }
0x4c: {  	[tilespmem:s13], [sflag:$0x1] =	stream.indirect.gather @!p0 [hbm4b:s3+s7], $0x40, s12, s7, $0xb8;
	[tilespmem:$0x1F400] =	vst v63  }
0x4d: {  	s7 =	simm.s32 @!p0 $0x918;
	s12 =	simm.s32 @!p0 $0x11A00;
	s13 =	simm.s32 $0x3200  }
0x4e: {  	[tilespmem:s12], [sflag:$0x1] =	stream.indirect.gather @!p0 [hbm4b:s3+s1], $0x40, s7, s1, $0xb8;
	[tilespmem:$0x1F400] =	vst v63  }
0x4f: {  	p0 =	por p1, p1;
	s12 =	sadd.s32 $0x3200, s6;
	_ =	swait.ge [sflag:s28], $0xC800  }
0x50: {  	s1 =	sadd.s32 $0x3200, s14;
	s7 =	smov.u32 s14;
	[sflag:s28] =	ssyncset.done $0x0  }
.LBB2_2:
0x51: {  	s15 =	simm.s32 @!p0 $0x4;
	[sflag:s28] =	ssyncadd.s32 $0xFFFF3800  }
0x52: {  	[hbm4b:s7+s2] =	stream.linear.scatter [tilespmem:s25], [sflag:$0x4], $0xC800, $0x38;
	[tilespmem:$0x1F400] =	vst v63  }
0x53: {  	_ =	swait.ge @!p0 [sflag:s15], $0xC800  }
0x54: {  	s17 =	sshra.s32 s0, $0x2;
	[sflag:s15] =	ssyncset.done @!p0 $0x0  }
0x55: {  	s20 =	sadd.s32 $0x320, s17;
	[sflag:s15] =	ssyncadd.s32 @!p0 $0xFFFF3800  }
0x56: {  	[tilespmem:s25], [sflag:$0x2] =	stream.indirect.gather [hbm4b:s3+s9], $0x40, s20, s9, $0xb8;
	[tilespmem:$0x1F400] =	vst v63  }
0x57: {  	s18 =	sadd.s32 $0x3A0, s17;
	s21 =	rddreg [dreg:$0x3]  }
0x58: {  	[tilespmem:s21], [sflag:$0x2] =	stream.indirect.gather [hbm4b:s3+s11], $0x40, s18, s11, $0xb8;
	[tilespmem:$0x1F400] =	vst v63  }
0x59: {  	s22 =	sadd.s32 $0x3E8, s17;
	s19 =	rddreg [dreg:$0x4]  }
0x5a: {  	[tilespmem:s19], [sflag:$0x2] =	stream.indirect.gather [hbm4b:s3+s9], $0x40, s22, s9, $0xb8;
	[tilespmem:$0x1F400] =	vst v63  }
0x5b: {  	s23 =	rddreg [dreg:$0x5];
	s20 =	sadd.s32 $0x468, s17  }
0x5c: {  	[tilespmem:s23], [sflag:$0x2] =	stream.indirect.gather [hbm4b:s3+s11], $0x40, s20, s11, $0xb8;
	[tilespmem:$0x1F400] =	vst v63  }
0x5d: {  	s21 =	rddreg [dreg:$0x6];
	s22 =	sadd.s32 $0x4B0, s17  }
0x5e: {  	[tilespmem:s21], [sflag:$0x2] =	stream.indirect.gather [hbm4b:s3+s9], $0x40, s22, s9, $0xb8;
	[tilespmem:$0x1F400] =	vst v63  }
0x5f: {  	s19 =	sadd.s32 $0x530, s17;
	s23 =	rddreg [dreg:$0x7]  }
0x60: {  	[tilespmem:s23], [sflag:$0x2] =	stream.indirect.gather [hbm4b:s3+s11], $0x40, s19, s11, $0xb8;
	[tilespmem:$0x1F400] =	vst v63  }
0x61: {  	s20 =	rddreg [dreg:$0x8];
	s21 =	sadd.s32 $0x578, s17  }
0x62: {  	[tilespmem:s20], [sflag:$0x2] =	stream.indirect.gather [hbm4b:s3+s9], $0x40, s21, s9, $0xb8;
	[tilespmem:$0x1F400] =	vst v63  }
0x63: {  	s22 =	rddreg [dreg:$0x9];
	s23 =	sadd.s32 $0x5F8, s17  }
0x64: {  	[tilespmem:s22], [sflag:$0x2] =	stream.indirect.gather [hbm4b:s3+s11], $0x40, s23, s11, $0xb8;
	[tilespmem:$0x1F400] =	vst v63  }
0x65: {  	p2 =	seq.s32 s13, $0x0;
	_ =	swait.ge [sflag:s26], $0xC800  }
0x66: {  	p0 =	por p2, p2;
	p2 =	seq.s32 s0, $0x17700;
	[sflag:s26] =	ssyncset.done $0x0  }
0x67: {  	s15 =	simm.s32 @!p2 $0x3;
	[sflag:s26] =	ssyncadd.s32 $0xFFFF3800  }
0x68: {  	[hbm4b:s12+s2] =	stream.linear.scatter [tilespmem:s10], [sflag:$0x3], $0xC800, $0x38;
	[tilespmem:$0x1F400] =	vst v63  }
0x69: {  	s16 =	smov.u32 s13;
	s17 =	sshra.s32 @!p2 s0, $0x2;
	_ =	swait.ge @!p2 [sflag:s15], $0xC800  }
0x6a: {  	s0 =	smov.u32 s16;
	s19 =	simm.s32 @!p2 $0x80;
	[sflag:s15] =	ssyncset.done @!p2 $0x0  }
0x6b: {  	s16 =	sadd.s32 @!p2 $0x640, s17;
	s20 =	simm.s32 @!p2 $0x6400;
	[sflag:s15] =	ssyncadd.s32 @!p2 $0xFFFF3800  }
0x6c: {  	[tilespmem:s20], [sflag:$0x1] =	stream.indirect.gather @!p2 [hbm4b:s3+s19], $0x40, s16, s19, $0xb8;
	[tilespmem:$0x1F400] =	vst v63  }
0x6d: {  	s18 =	sadd.s32 @!p2 $0x6C0, s17;
	s21 =	simm.s32 @!p2 $0x8400;
	s15 =	simm.s32 @!p2 $0x48  }
0x6e: {  	[tilespmem:s21], [sflag:$0x1] =	stream.indirect.gather @!p2 [hbm4b:s3+s15], $0x40, s18, s15, $0xb8;
	[tilespmem:$0x1F400] =	vst v63  }
0x6f: {  	s16 =	sadd.s32 @!p2 $0x708, s17;
	s20 =	simm.s32 @!p2 $0x9600  }
0x70: {  	[tilespmem:s20], [sflag:$0x1] =	stream.indirect.gather @!p2 [hbm4b:s3+s19], $0x40, s16, s19, $0xb8;
	[tilespmem:$0x1F400] =	vst v63  }
0x71: {  	s22 =	sadd.s32 @!p2 $0x788, s17;
	s18 =	simm.s32 @!p2 $0xB600  }
0x72: {  	[tilespmem:s18], [sflag:$0x1] =	stream.indirect.gather @!p2 [hbm4b:s3+s15], $0x40, s22, s15, $0xb8;
	[tilespmem:$0x1F400] =	vst v63  }
0x73: {  	s21 =	sadd.s32 @!p2 $0x7D0, s17;
	s16 =	simm.s32 @!p2 $0xC800  }
0x74: {  	[tilespmem:s16], [sflag:$0x1] =	stream.indirect.gather @!p2 [hbm4b:s3+s19], $0x40, s21, s19, $0xb8;
	[tilespmem:$0x1F400] =	vst v63  }
0x75: {  	s13 =	sadd.s32 $0x1900, s13;
	s23 =	sadd.s32 @!p2 $0x850, s17;
	s18 =	simm.s32 @!p2 $0xE800  }
0x76: {  	[tilespmem:s18], [sflag:$0x1] =	stream.indirect.gather @!p2 [hbm4b:s3+s15], $0x40, s23, s15, $0xb8;
	[tilespmem:$0x1F400] =	vst v63  }
0x77: {  	p1 =	sne.s32 s13, $0x19000;
	s20 =	sadd.s32 @!p2 $0x898, s17;
	s16 =	simm.s32 @!p2 $0xFA00  }
0x78: {  	[tilespmem:s16], [sflag:$0x1] =	stream.indirect.gather @!p2 [hbm4b:s3+s19], $0x40, s20, s19, $0xb8;
	[tilespmem:$0x1F400] =	vst v63  }
.Ltmp0:
0x79: {  	_ = 	snop;
	(pc) =	sbr.rel @p1 .LBB2_2-.Ltmp0, $4  }
0x7a: {  	s17 =	sadd.s32 @!p2 $0x918, s17;
	s18 =	simm.s32 @!p2 $0x11A00  }
0x7b: {  	[tilespmem:s18], [sflag:$0x1] =	stream.indirect.gather @!p2 [hbm4b:s3+s15], $0x40, s17, s15, $0xb8;
	[tilespmem:$0x1F400] =	vst v63  }
0x7c: {  	s7 =	smov.u32 s1;
	_ =	swait.ge [sflag:s28], $0xC800  }
0x7d: {  	s1 =	sadd.s32 $0x3200, s1;
	s12 =	sadd.s32 $0x3200, s12;
	[sflag:s28] =	ssyncset.done $0x0  }
0x7e: {  	s13 =	simm.s32 @!p0 $0x4;
	[sflag:s28] =	ssyncadd.s32 $0xFFFF3800  }
0x7f: {  	[hbm4b:s7+s2] =	stream.linear.scatter [tilespmem:s25], [sflag:$0x4], $0xC800, $0x38;
	[tilespmem:$0x1F400] =	vst v63  }
0x80: {  	_ =	swait.ge @!p0 [sflag:s13], $0xC800  }
0x81: {  	s7 =	sshra.s32 s0, $0x2;
	[sflag:s13] =	ssyncset.done @!p0 $0x0  }
0x82: {  	s20 =	sadd.s32 $0x320, s7;
	[sflag:s13] =	ssyncadd.s32 @!p0 $0xFFFF3800  }
0x83: {  	[tilespmem:s25], [sflag:$0x2] =	stream.indirect.gather [hbm4b:s3+s9], $0x40, s20, s9, $0xb8;
	[tilespmem:$0x1F400] =	vst v63  }
0x84: {  	s21 =	sadd.s32 $0x3A0, s7;
	s15 =	rddreg [dreg:$0x3]  }
0x85: {  	[tilespmem:s15], [sflag:$0x2] =	stream.indirect.gather [hbm4b:s3+s11], $0x40, s21, s11, $0xb8;
	[tilespmem:$0x1F400] =	vst v63  }
0x86: {  	s22 =	sadd.s32 $0x3E8, s7;
	s16 =	rddreg [dreg:$0x4]  }
0x87: {  	[tilespmem:s16], [sflag:$0x2] =	stream.indirect.gather [hbm4b:s3+s9], $0x40, s22, s9, $0xb8;
	[tilespmem:$0x1F400] =	vst v63  }
0x88: {  	s23 =	rddreg [dreg:$0x5];
	s16 =	sadd.s32 $0x468, s7  }
0x89: {  	[tilespmem:s23], [sflag:$0x2] =	stream.indirect.gather [hbm4b:s3+s11], $0x40, s16, s11, $0xb8;
	[tilespmem:$0x1F400] =	vst v63  }
0x8a: {  	s18 =	sadd.s32 $0x4B0, s7;
	s17 =	rddreg [dreg:$0x6]  }
0x8b: {  	[tilespmem:s17], [sflag:$0x2] =	stream.indirect.gather [hbm4b:s3+s9], $0x40, s18, s9, $0xb8;
	[tilespmem:$0x1F400] =	vst v63  }
0x8c: {  	s19 =	rddreg [dreg:$0x7];
	s20 =	sadd.s32 $0x530, s7  }
0x8d: {  	[tilespmem:s19], [sflag:$0x2] =	stream.indirect.gather [hbm4b:s3+s11], $0x40, s20, s11, $0xb8;
	[tilespmem:$0x1F400] =	vst v63  }
0x8e: {  	s21 =	rddreg [dreg:$0x8];
	s22 =	sadd.s32 $0x578, s7  }
0x8f: {  	[tilespmem:s21], [sflag:$0x2] =	stream.indirect.gather [hbm4b:s3+s9], $0x40, s22, s9, $0xb8;
	[tilespmem:$0x1F400] =	vst v63  }
0x90: {  	s7 =	sadd.s32 $0x5F8, s7;
	s23 =	rddreg [dreg:$0x9]  }
0x91: {  	[tilespmem:s23], [sflag:$0x2] =	stream.indirect.gather [hbm4b:s3+s11], $0x40, s7, s11, $0xb8;
	[tilespmem:$0x1F400] =	vst v63  }
0x92: {  	_ =	swait.ge [sflag:s26], $0xC800  }
0x93: {  	p0 =	seq.s32 s0, $0x17700;
	[sflag:s26] =	ssyncset.done $0x0  }
0x94: {  	s7 =	simm.s32 @!p0 $0x3;
	[sflag:s26] =	ssyncadd.s32 $0xFFFF3800  }
0x95: {  	[hbm4b:s12+s2] =	stream.linear.scatter [tilespmem:s10], [sflag:$0x3], $0xC800, $0x38;
	[tilespmem:$0x1F400] =	vst v63  }
0x96: {  	_ =	swait.ge @!p0 [sflag:s7], $0xC800  }
0x97: {  	s0 =	sshra.s32 @!p0 s0, $0x2;
	s13 =	simm.s32 @!p0 $0x80;
	[sflag:s7] =	ssyncset.done @!p0 $0x0  }
0x98: {  	s15 =	simm.s32 @!p0 $0x6400;
	s12 =	sadd.s32 @!p0 $0x640, s0;
	[sflag:s7] =	ssyncadd.s32 @!p0 $0xFFFF3800  }
0x99: {  	[tilespmem:s15], [sflag:$0x1] =	stream.indirect.gather @!p0 [hbm4b:s3+s13], $0x40, s12, s13, $0xb8;
	[tilespmem:$0x1F400] =	vst v63  }
0x9a: {  	s7 =	sadd.s32 @!p0 $0x6C0, s0;
	s12 =	simm.s32 @!p0 $0x48;
	s15 =	simm.s32 @!p0 $0x8400  }
0x9b: {  	[tilespmem:s15], [sflag:$0x1] =	stream.indirect.gather @!p0 [hbm4b:s3+s12], $0x40, s7, s12, $0xb8;
	[tilespmem:$0x1F400] =	vst v63  }
0x9c: {  	s7 =	sadd.s32 @!p0 $0x708, s0;
	s15 =	simm.s32 @!p0 $0x9600  }
0x9d: {  	[tilespmem:s15], [sflag:$0x1] =	stream.indirect.gather @!p0 [hbm4b:s3+s13], $0x40, s7, s13, $0xb8;
	[tilespmem:$0x1F400] =	vst v63  }
0x9e: {  	s7 =	sadd.s32 @!p0 $0x788, s0;
	s15 =	simm.s32 @!p0 $0xB600  }
0x9f: {  	[tilespmem:s15], [sflag:$0x1] =	stream.indirect.gather @!p0 [hbm4b:s3+s12], $0x40, s7, s12, $0xb8;
	[tilespmem:$0x1F400] =	vst v63  }
0xa0: {  	s7 =	sadd.s32 @!p0 $0x7D0, s0;
	s15 =	simm.s32 @!p0 $0xC800  }
0xa1: {  	[tilespmem:s15], [sflag:$0x1] =	stream.indirect.gather @!p0 [hbm4b:s3+s13], $0x40, s7, s13, $0xb8;
	[tilespmem:$0x1F400] =	vst v63  }
0xa2: {  	s7 =	sadd.s32 @!p0 $0x850, s0;
	s15 =	simm.s32 @!p0 $0xE800  }
0xa3: {  	[tilespmem:s15], [sflag:$0x1] =	stream.indirect.gather @!p0 [hbm4b:s3+s12], $0x40, s7, s12, $0xb8;
	[tilespmem:$0x1F400] =	vst v63  }
0xa4: {  	s7 =	sadd.s32 @!p0 $0x898, s0;
	s15 =	simm.s32 @!p0 $0xFA00  }
0xa5: {  	[tilespmem:s15], [sflag:$0x1] =	stream.indirect.gather @!p0 [hbm4b:s3+s13], $0x40, s7, s13, $0xb8;
	[tilespmem:$0x1F400] =	vst v63  }
0xa6: {  	s0 =	sadd.s32 @!p0 $0x918, s0;
	s7 =	simm.s32 @!p0 $0x11A00  }
0xa7: {  	[tilespmem:s7], [sflag:$0x1] =	stream.indirect.gather @!p0 [hbm4b:s3+s12], $0x40, s0, s12, $0xb8;
	[tilespmem:$0x1F400] =	vst v63  }
0xa8: {  	_ =	swait.ge [sflag:s28], $0xC800  }
0xa9: {  	[sflag:s28] =	ssyncset.done $0x0  }
0xaa: {  	s31 =	sadd.s32 $0x1, s31;
	[sflag:s28] =	ssyncadd.s32 $0xFFFF3800  }
0xab: {  	[hbm4b:s1+s2] =	stream.linear.scatter [tilespmem:s25], [sflag:$0x4], $0xC800, $0x38;
	[tilespmem:$0x1F400] =	vst v63  }
0xac: {  	p0 =	sne.s32 s31, s5;
	_ =	swait.ge [sflag:s29], $0xC800  }
.Ltmp1:
0xad: {  	[sflag:s29] =	ssyncset.done $0x0;
	(pc) =	sbr.rel @p0 .LBB2_1-.Ltmp1, $4  }
0xae: {  	[sflag:s29] =	ssyncadd.s32 $0xFFFF3800  }
0xaf: {  	_ =	swait.ge [sflag:s30], $0xC800  }
0xb0: {  	[sflag:s30] =	ssyncset.done $0x0  }
0xb1: {  	[sflag:s30] =	ssyncadd.s32 $0xFFFF3800  }
0xb2: {  	_ =	sfence.sel $0x180000  }
0xb3: {  	[bflag:$0x0] =	sbarrier.arrive $0xFFFF  }
0xb4: {  	_ =	strace $0x90000047  }
0xb5: {  	s0 =	stileid.u32;
	[bflag:$0x2] =	sbarrier.arrive $0xFFFF  }
0xb6: {  	p0 =	sne.s32 s0, $0x0;
	s0 =	rddreg [dreg:$0x2]  }
0xb7: {  	s0 =	sadd.s32 @!p0 $0x100000, s0  }
0xb8: {  	[sflag:s0] =	ssyncadd.tile.s32 @!p0 $0x1;
	_ =	shalt  }
.Lfunc_end2:
_tile_overlayer_lowered:
.L_overlay_start_2:
0xb9: {  	(tag) =	ssettag $0x2  }
0xba: {  	s0 =	rddreg [dreg:$0x0];
	s2 =	stileid.u32  }
0xbb: {  	s1 =	rddreg [dreg:$0x1];
	p0 =	sne.s32 s2, $0x0  }
0xbc: {  	s3 =	rddreg [dreg:$0x2];
	[bflag:$0x3] =	sbarrier.arrive $0xFFFF;
	s2 =	simm.s32 @!p0 $0x1C05  }
0xbd: {  	[timem:s3], [sflag:s2] =	dma.local @!p0 [hbm:s0], s1  }
0xbe: {  	s0 =	simm.s32 @!p0 $0x5  }
0xbf: {  	_ =	swait.ge @!p0 [sflag:s0], s1  }
0xc0: {  	s1 =	ssub.s32 @!p0 $0x0, s1;
	[sflag:s0] =	ssyncset.done @!p0 $0x0  }
0xc1: {  	[sflag:s0] =	ssyncadd.s32 @!p0 s1  }
0xc2: {  	[bflag:$0x3] =	sbarrier.arrive $0xFFFF  }
0xc3: {  	_ =	shalt  }

// kernel: sparse-core-data-format-call.cloned.1.call-start
scs
called_computation_lowered:
.L_overlay_start_0:
0x0: {  	s2 =	sld [smem:$0x3FD9]  }
0x1: {  	s3 =	sld [smem:$0x3FFE];
	_ =	sdelay $0x1  }
0x2: {  	s1 =	srdreg.scid  }
0x3: {  	s0 =	sand.u32 $0x1, s1  }
0x4: {  	s18 =	sshll.u32 s0, $0xA;
	s2 =	sadd.s32 s3, s2  }
0x5: {  	s2 =	sadd.s32 s2, s18  }
0x6: {  	[smem:$0x3FC6] =	sst s2  }
0x7: {  	_ = 	snop  }
0x8: {  	s2 =	sld [smem:$0x3FD0];
	(tm) =	ssettm $0x1  }
0x9: {  	s19 =	sld [smem:$0x3FFB];
	_ =	sdelay $0x3  }
0xa: {  	_ =	strace s19  }
0xb: {  	s3 =	sld [smem:$0x3FFC];
	_ =	sdelay $0x3  }
0xc: {  	_ =	strace s3  }
0xd: {  	s3 =	sld [smem:$0x3FFD];
	_ =	sdelay $0x3  }
0xe: {  	_ =	strace s3  }
0xf: {  	_ =	strace $0x8FFFFFFF  }
0x10: {  	s20 =	sld [smem:$0x3FDB];
	_ =	sdelay $0x1  }
0x11: {  	s4 =	simm.s32 $_scs_section_size  }
0x12: {  	s5 =	simm.s32 $_size__tile_overlayer_lowered;
	s6 =	simm.s32 $_tile_overlayer_lowered  }
0x13: {  	s23 =	simm.s32 $0x1BFF;
	s22 =	sshll.u32 s6, $0x1;
	s3 =	sadd.s32 s4, s20  }
0x14: {  	s7 =	simm.s32 $0x0;
	s21 =	sshll.u32 s5, $0x1;
	s5 =	sadd.s32 s22, s3  }
0x15: {  	[timem:s7], [sflag:s23] =	dma.local [hbm:s5], s21  }
0x16: {  	_ =	swait.ge [sflag:s23], s21  }
0x17: {  	s4 =	ssub.s32 $0x0, s21;
	[sflag:s23] =	ssyncset.done $0x0  }
0x18: {  	[sflag:s23] =	ssyncadd.s32 s4;
	_ =	sdelay $0x1  }
0x19: {  	s24 =	simm.s32 $0x1B8B  }
0x1a: {  	_ =	swait.ge [sflag:s24], $0x1  }
0x1b: {  	[sflag:s24] =	ssyncset.done $0x0  }
0x1c: {  	s26 =	simm.s32 $0x1B8E;
	s25 =	sld [smem:$0x3FFE];
	[sflag:s24] =	ssyncadd.s32 $0xFFFFFFFF  }
0x1d: {  	s27 =	simm.s32 $execute0_lowered;
	[smem:$0x3FD2] =	sst s26  }
0x1e: {  	s5 =	sshll.u32 s27, $0x1;
	_ =	strace $0x80000049;
	[dreg:$0x1] =	wrdreg $0xFFFFFFFF  }
0x1f: {  	s28 =	simm.s32 $_size_execute0_lowered;
	s3 =	sadd.s32 s3, s5;
	[dreg:$0x0] =	wrdreg $0x0  }
0x20: {  	s5 =	sshll.u32 s28, $0x1;
	[dreg:$0x2] =	wrdreg s3  }
0x21: {  	[dreg:$0x3] =	wrdreg s5  }
0x22: {  	[dreg:$0x4] =	wrdreg $0xC0  }
0x23: {  	_ =	task [dreg:s7], $0x5FFFF  }
0x24: {  	[dreg:$0x1] =	wrdreg $0xFFFFFFFF  }
0x25: {  	[dreg:$0x0] =	wrdreg $0x60  }
0x26: {  	[dreg:$0x2] =	wrdreg s25  }
0x27: {  	[dreg:$0x3] =	wrdreg s2  }
0x28: {  	[dreg:$0x4] =	wrdreg $0x9  }
0x29: {  	_ =	task.clear_ibuf [dreg:s7], $0x5FFFF;
	_ =	strace $0x90000049  }
0x2a: {  	s29 =	simm.s32 $0x9;
	_ =	strace $0x8000004B  }
0x2b: {  	_ =	swait.ge [sflag:s29], $0x1  }
0x2c: {  	[sflag:s29] =	ssyncadd.s32 $0xFFFFFFFF  }
0x2d: {  	_ =	strace $0x9000004B  }
0x2e: {  	_ =	sfence  }
0x2f: {  	s30 =	sld [smem:$0x0];
	_ =	sdelay $0x2  }
0x30: {  	s31 =	sshll.u32 s1, $0xD;
	s1 =	sshrl.u32 s1, $0x2  }
0x31: {  	s3 =	sand.u32 $0x4000, s31;
	s1 =	sadd.s32 s1, s30  }
0x32: {  	s0 =	sor.u32 s3, s0;
	s1 =	sshll.u32 s1, $0x11  }
0x33: {  	s0 =	sor.u32 s1, s0  }
0x34: {  	s0 =	sadd.s32 $0x8F2B, s0  }
0x35: {  	[sflag:s0] =	ssyncadd.remote.s32 $0x1  }
0x36: {  	_ =	sfence.sel $0xFFFF  }
0x37: {  	[dreg:$0x0] =	wrdreg $0xFFFFFFFF;
	(pc) =	sbr.abs _section_cstart, $3  }
0x38: {  	[dreg:$0x1] =	wrdreg $0xFFFFFFFF  }
0x39: {  	_ =	task.clear_ibuf [dreg:s7], $0x2FFFF;
	_ =	strace $0x9FFFFFFF  }
0x3a: {  	(tm) =	ssettm $0x7FFFFFFF  }
0x3b: {  	_ =	shalt  }
tec
execute0_lowered:
.L_overlay_start_1:
0x0: {  	(tag) =	ssettag $0x1  }
0x1: {  	s0 =	srdreg.scid  }
0x2: {  	s1 =	sshll.u32 s0, $0x4  }
0x3: {  	s0 =	stileid.u32;
	s1 =	sand.u32 $0x10, s1  }
0x4: {  	s1 =	sor.u32 s0, s1  }
0x5: {  	s6 =	rddreg [dreg:$0x0];
	s4 =	simm.s32 $0x1;
	s2 =	sshll.u32 s1, $0x7  }
0x6: {  	s7 =	simm.s32 $0x2;
	s12 =	simm.s32 $0x0;
	s1 =	ssub.s32 $0x1000, s2  }
0x7: {  	s8 =	simm.s32 $0x8000;
	s13 =	simm.s32 $0x0;
	s3 =	sand.u32 $0xF80, s1  }
0x8: {  	s9 =	simm.s32 $0x0;
	s5 =	sshrl.u32 s1, $0xC;
	p0 =	sne.s32 s3, $0x0  }
.Ltmp0:
0x9: {  	s1 =	rddreg [dreg:$0x2];
	s4 =	simm.s32 @!p0 $0x0;
	(pc) =	sbr.rel .LBB1_1-.Ltmp0, $4  }
0xa: {  	s11 =	simm.s32 $0x0;
	s3 =	rddreg [dreg:$0x1];
	s5 =	sadd.s32 s4, s5  }
0xb: {  	_ =	strace $0x8000004A;
	s4 =	simm.s32 $0x1;
	s5 =	smul.u32 $0xC8, s5  }
0xc: {  	s6 =	sadd.s32 $0xA00, s6;
	s10 =	smov.u32 s2;
	[sflag:s4] =	ssyncpa.u1 $0x0  }
0xd: {  	p0 =	por $0x0, $0x0;
	[sflag:s7] =	ssyncpa.u1 $0x0;
	s7 =	sor.u32 $0x1, s5  }
.LBB1_4:
0xe: {  	s16 =	sshll.u32 s13, $0x3;
	s17 =	sand.u32 $0x78, s13  }
0xf: {  	s30 =	sand.u32 $0x7E00, s13;
	s12 =	sshll.u32 s12, $0xF;
	s16 =	sand.u32 $0xC00, s16  }
0x10: {  	[tilespmem:s15+$0x810 ss:$0x81] =	vst.msk $0xffff, v2;
	s31 =	sand.u32 $0x7, s13;
	s16 =	sor.u32 s17, s16;
	s17 =	sadd.s32 s3, s30  }
0x11: {  	[tilespmem:s15+$0x1020 ss:$0x81] =	vst.msk $0xffff, v0;
	s13 =	sshll.u32 s31, $0x12;
	s12 =	sadd.s32 s12, s17;
	s16 =	sshrl.u32 s16, $0x3  }
0x12: {  	[tilespmem:s15+$0x0 ss:$0x81] =	vst.msk $0xffff, v1;
	s13 =	sor.u32 $0x400, s13;
	s12 =	sadd.s32 s16, s12  }
0x13: {  	[hbm4b:s12+s13] =	stream.strided.scatter [tilespmem:s14], [sflag:$0x2], $0x2000, s8, s13, $0x20;
	[tilespmem:$0x8080] =	vst v63  }
.LBB1_5:
0x14: {  	s14 =	sadd.s32 $0x1, s9  }
0x15: {  	s12 =	sadd.s32 $0x1000, s10;
	s16 =	smov.u32 s10;
	p2 =	sgt.s32 s14, $0xC7  }
0x16: {  	s16 =	smov.u32 @p2 s12  }
0x17: {  	s14 =	simm.s32 @p2 $0x0;
	p2 =	sgt.s32 s16, $0xFFF  }
0x18: {  	s16 =	smov.u32 @p2 s2;
	p2 =	sne.s32 s11, s7  }
.Ltmp1:
0x19: {  	p1 =	slt.u32 s11, $0x2;
	(pc) =	sbr.rel @!p2 .LBB1_6-.Ltmp1, $4  }
0x1a: {  	s15 =	simm.s32 @!p1 $0x2  }
0x1b: {  	s13 =	smov.u32 s10;
	p0 =	por !p0, !p0;
	_ =	swait.ge @!p1 [sflag:s15], $0x2000  }
0x1c: {  	s12 =	smov.u32 s9;
	[sflag:s15] =	ssyncset.done @!p1 $0x0;
	s9 =	smov.u32 s14  }
0x1d: {  	s11 =	sadd.s32 $0x1, s11;
	[sflag:s15] =	ssyncadd.s32 @!p1 $0xFFFFE000;
	s10 =	smov.u32 s16  }
.LBB1_1:
0x1e: {  	p1 =	sge.u32 s11, s5  }
0x1f: {  	s14 =	sand.u32 @!p1 $0x1FFFFFF, s9  }
0x20: {  	s15 =	smulhi.u32 @!p1 $0x147AE15, s14;
	_ =	sdelay $0x1  }
0x21: {  	s15 =	smul.u32 @!p1 $0xC8, s15  }
0x22: {  	s16 =	sxor.u32 @!p1 $0xFFFFFFFF, s11;
	s17 =	smul.u32 @!p1 $0xC80, s10  }
0x23: {  	s31 =	sadd.s32 $0xFFFFFFFF, s11;
	s16 =	sshll.u32 @!p1 s16, $0xD;
	s14 =	ssub.s32 @!p1 s14, s15  }
0x24: {  	s15 =	sand.u32 @!p1 $0x2000, s16;
	s16 =	sadd.s32 @!p1 s6, s17;
	s14 =	sshll.u32 @!p1 s14, $0x4  }
0x25: {  	s17 =	simm.s32 @!p1 $0x6400;
	s14 =	sadd.s32 @!p1 s14, s16;
	s16 =	simm.s32 @!p1 $0x40  }
0x26: {  	[tilespmem:s15], [sflag:$0x1] =	stream.strided.gather @!p1 [hbm4b:s14+s16], $0x2000, s17, s16, $0x38;
	[tilespmem:$0x8080] =	vst v63  }
0x27: {  	p1 =	sge.u32 s31, s5  }
.Ltmp2:
0x28: {  	_ = 	snop;
	(pc) =	sbr.rel @p1 .LBB1_5-.Ltmp2, $1  }
0x29: {  	_ =	sdelay $0x3  }
0x2a: {  	s14 =	simm.s32 $0x1  }
0x2b: {  	_ =	swait.ge [sflag:s4], $0x2000;
	s14 =	simm.s32 @!p0 $0x0  }
0x2c: {  	[sflag:s4] =	ssyncset.done $0x0;
	s15 =	sshll.u32 s14, $0xD  }
0x2d: {  	[sflag:s4] =	ssyncadd.s32 $0xFFFFE000;
	s18 =	sor.u32 $0x20, s15  }
0x2e: {  	s14 =	smul.u32 $0x8100, s14;
	v3 =	vld [tilespmem:s18+$0x10]  }
0x2f: {  	s30 =	sand.u32 $0x1, s11;
	v2 =	vld [tilespmem:s18+$0xFFFFFFF0]  }
0x30: {  	s15 =	smul.u32 $0x8100, s30;
	s14 =	sshrl.u32 s14, $0x2;
	v0 =	vld [tilespmem:s18+$0x0]  }
0x31: {  	v1 =	vld [tilespmem:s18+$0xFFFFFFE0];
	s16 =	sor.u32 $0x4000, s14  }
0x32: {  	s31 =	sshrl.u32 s15, $0x2;
	s15 =	sadd.s32 $0x0, s16  }
0x33: {  	s17 =	simm.s32 $0x4;
	s18 =	sadd.s32 $0x40, s18;
	s14 =	sor.u32 $0x4000, s31;
	[tilespmem:s15+$0x1830 ss:$0x81] =	vst.msk $0xffff, v3  }
.LBB1_3:
0x34: {  	v3 =	vld [tilespmem:s18+$0x10];
	p1 =	sne.s32 s17, $0x1FC;
	[tilespmem:s15+$0x810 ss:$0x81] =	vst.msk $0xffff, v2;
	s19 =	smov.u32 s17;
	s17 =	sadd.s32 $0x4, s17  }
.Ltmp3:
0x35: {  	v2 =	vld [tilespmem:s18+$0xFFFFFFF0];
	[tilespmem:s15+$0x1020 ss:$0x81] =	vst.msk $0xffff, v0;
	(pc) =	sbr.rel @p1 .LBB1_3-.Ltmp3, $4  }
0x36: {  	v0 =	vld [tilespmem:s18+$0x0];
	[tilespmem:s15+$0x0 ss:$0x81] =	vst.msk $0xffff, v1  }
0x37: {  	s15 =	sshra.s32 s19, $0x2;
	v1 =	vld [tilespmem:s18+$0xFFFFFFE0]  }
0x38: {  	s15 =	sadd.s32 s15, s16  }
0x39: {  	s18 =	sadd.s32 $0x40, s18;
	[tilespmem:s15+$0x1830 ss:$0x81] =	vst.msk $0xffff, v3  }
.Ltmp4:
0x3a: {  	_ = 	snop;
	(pc) =	sbr.rel .LBB1_4-.Ltmp4, $1  }
0x3b: {  	_ =	sdelay $0x3  }
.LBB1_6:
0x3c: {  	_ =	sfence.sel $0x180000  }
0x3d: {  	s2 =	simm.s32 $0x1;
	[bflag:$0x0] =	sbarrier.arrive $0xFFFF  }
0x3e: {  	s31 =	simm.s32 $0x2;
	[sflag:s2] =	ssyncpa.u1 $0x1  }
0x3f: {  	[sflag:s31] =	ssyncpa.u1 $0x1  }
0x40: {  	p0 =	sne.s32 s0, $0x0;
	_ =	strace $0x9000004A  }
0x41: {  	s0 =	sadd.s32 @!p0 $0x100000, s1;
	[bflag:$0x2] =	sbarrier.arrive $0xFFFF  }
0x42: {  	[sflag:s0] =	ssyncadd.tile.s32 @!p0 $0x1;
	_ =	shalt  }
.Lfunc_end1:
_tile_overlayer_lowered:
.L_overlay_start_2:
0x43: {  	(tag) =	ssettag $0x2  }
0x44: {  	s0 =	rddreg [dreg:$0x0];
	s2 =	stileid.u32  }
0x45: {  	s1 =	rddreg [dreg:$0x1];
	p0 =	sne.s32 s2, $0x0  }
0x46: {  	s3 =	rddreg [dreg:$0x2];
	[bflag:$0x3] =	sbarrier.arrive $0xFFFF;
	s2 =	simm.s32 @!p0 $0x1C01  }
0x47: {  	[timem:s3], [sflag:s2] =	dma.local @!p0 [hbm:s0], s1  }
0x48: {  	s0 =	simm.s32 @!p0 $0x1  }
0x49: {  	_ =	swait.ge @!p0 [sflag:s0], s1  }
0x4a: {  	s1 =	ssub.s32 @!p0 $0x0, s1;
	[sflag:s0] =	ssyncset.done @!p0 $0x0  }
0x4b: {  	[sflag:s0] =	ssyncadd.s32 @!p0 s1  }
0x4c: {  	[bflag:$0x3] =	sbarrier.arrive $0xFFFF  }
0x4d: {  	_ =	shalt  }

</sc_bundles>
